<compile_context>
chip_gen: v7x
topology: tpu7x:2x2x1
jax: 0.10.2.dev20260603
libtpu: 0.0.44.dev20260713+nightly
codegen_flags: <defaults>
</compile_context>

<pallas_src>
import functools

import jax
import jax.numpy as jnp
from jax import lax
from jax.experimental import pallas as pl
from jax.experimental.pallas import tpu as pltpu
from jax.experimental.pallas import tpu_sc as plsc

_BS, _SEQ, _D = 16, 2048, 44
_MD, _NH = 128, 8
_DH = _MD // _NH
_NOBS, _NNEXT = 1024, 1024
_DP = 128

_NC, _NS = 2, 16
_NW = _NC * _NS


def _sc_gather(player_flat, obs_idx, next_idx, time_table):
    rows_per_w = _BS * _NOBS // _NW
    obs_half = _NOBS // 2
    tt_per_w = _NOBS // _NW

    mesh = plsc.VectorSubcoreMesh(core_axis_name="c", subcore_axis_name="s")

    @functools.partial(
        pl.kernel,
        mesh=mesh,
        compiler_params=pltpu.CompilerParams(use_tc_tiling_on_sc=False),
        out_type=(
            jax.ShapeDtypeStruct((_BS * _NOBS, _DP), jnp.float32),
            jax.ShapeDtypeStruct((_NOBS, _MD), jnp.float32),
            jax.ShapeDtypeStruct((_NNEXT, _MD), jnp.float32),
        ),
        scratch_types=[
            pltpu.VMEM((rows_per_w,), jnp.int32),
            pltpu.VMEM((rows_per_w, _DP), jnp.float32),
            pltpu.VMEM((tt_per_w,), jnp.int32),
            pltpu.VMEM((tt_per_w, _MD), jnp.float32),
            pltpu.VMEM((tt_per_w,), jnp.int32),
            pltpu.VMEM((tt_per_w, _MD), jnp.float32),
            pltpu.SemaphoreType.DMA,
            pltpu.SemaphoreType.DMA,
            pltpu.SemaphoreType.DMA,
        ],
    )
    def k(player_hbm, obs_hbm, next_hbm, tt_hbm,
          rows_out, tto_out, ttn_out,
          idx_v, rows_v, oidx_v, orow_v, nidx_v, nrow_v, sem, sem2, sem3):
        wid = lax.axis_index("s") * _NC + lax.axis_index("c")
        b = wid // 2
        half = wid % 2
        pltpu.sync_copy(obs_hbm.at[pl.ds(half * obs_half, rows_per_w)], idx_v)
        pltpu.sync_copy(obs_hbm.at[pl.ds(wid * tt_per_w, tt_per_w)], oidx_v)
        pltpu.sync_copy(next_hbm.at[pl.ds(wid * tt_per_w, tt_per_w)], nidx_v)
        off = b * _SEQ
        for i in range(rows_per_w // 16):
            sl = pl.ds(i * 16, 16)
            idx_v[sl] = idx_v[sl] + off
        c1 = pltpu.async_copy(player_hbm.at[idx_v], rows_v, sem)
        c2 = pltpu.async_copy(tt_hbm.at[oidx_v], orow_v, sem2)
        c3 = pltpu.async_copy(tt_hbm.at[nidx_v], nrow_v, sem3)
        c2.wait()
        pltpu.sync_copy(orow_v, tto_out.at[pl.ds(wid * tt_per_w, tt_per_w)])
        c3.wait()
        pltpu.sync_copy(nrow_v, ttn_out.at[pl.ds(wid * tt_per_w, tt_per_w)])
        c1.wait()
        pltpu.sync_copy(
            rows_v, rows_out.at[pl.ds(b * _NOBS + half * obs_half, rows_per_w)])

    return k(player_flat, obs_idx, next_idx, time_table)


def _attn_body(obs_ref, tto_ref, ttn_ref, win_ref, wq_ref, wk_ref, wv_ref,
               wout_ref, out_ref, qp_ref, wve_ref):
    bf = jnp.bfloat16
    b = pl.program_id(0)

    @pl.when(b == 0)
    def _():
        qm = jnp.dot(ttn_ref[...].astype(bf),
                     (wq_ref[...] * (0.25 * 1.4426950408889634)).astype(bf),
                     preferred_element_type=jnp.float32)
        qmb = qm.astype(bf)
        wkb = wk_ref[...].astype(bf)
        for h in range(_NH):
            sl = slice(h * _DH, (h + 1) * _DH)
            qp_ref[h] = lax.dot_general(
                qmb[:, sl], wkb[:, sl], (((1,), (1,)), ((), ())),
                preferred_element_type=jnp.float32).astype(bf)
        wvb = wv_ref[...].astype(bf)
        pieces = []
        for h in range(_NH):
            sl = slice(h * _DH, (h + 1) * _DH)
            pieces.append(wvb[:, sl])
            pieces.append(jnp.zeros((_MD, _DH), bf))
        wve_ref[...] = jnp.concatenate(pieces, axis=1)

    obs = obs_ref[0].astype(bf)
    emb = jnp.dot(obs, win_ref[...].astype(bf),
                  preferred_element_type=jnp.float32) + tto_ref[...]
    embb = emb.astype(bf)
    embT = embb.T
    col = lax.broadcasted_iota(jnp.int32, (1, 2 * _MD), 1)
    ones_row = jnp.where(col % (2 * _DH) == _DH, 1.0, 0.0)
    ve_all = (jnp.dot(embb, wve_ref[...],
                      preferred_element_type=jnp.float32)
              + ones_row).astype(bf)
    ctxs = []
    for h in range(_NH):
        s = lax.dot_general(
            qp_ref[h], embT, (((1,), (0,)), ((), ())),
            preferred_element_type=jnp.float32)
        p = jnp.exp2(s.astype(bf))
        ce = lax.dot_general(
            p, ve_all[:, 2 * _DH * h:2 * _DH * (h + 1)],
            (((1,), (0,)), ((), ())),
            preferred_element_type=jnp.float32)
        ctxs.append((ce[:, :_DH] / ce[:, _DH:_DH + 1]).astype(bf))
    ctx = jnp.concatenate(ctxs, axis=1)
    out_ref[0] = jnp.dot(ctx, wout_ref[...].astype(bf),
                         preferred_element_type=jnp.float32)


def _tc_attn(obs_rows, tt_obs, tt_next, W_in_p, W_q, W_k, W_v, W_out):
    return pl.pallas_call(
        _attn_body,
        grid=(_BS,),
        in_specs=[
            pl.BlockSpec((1, _NOBS, _DP), lambda b: (b, 0, 0)),
            pl.BlockSpec((_NOBS, _MD), lambda b: (0, 0)),
            pl.BlockSpec((_NNEXT, _MD), lambda b: (0, 0)),
            pl.BlockSpec((_DP, _MD), lambda b: (0, 0)),
            pl.BlockSpec((_MD, _MD), lambda b: (0, 0)),
            pl.BlockSpec((_MD, _MD), lambda b: (0, 0)),
            pl.BlockSpec((_MD, _MD), lambda b: (0, 0)),
            pl.BlockSpec((_MD, _D), lambda b: (0, 0)),
        ],
        out_specs=pl.BlockSpec((1, _NNEXT, _D), lambda b: (b, 0, 0)),
        out_shape=jax.ShapeDtypeStruct((_BS, _NNEXT, _D), jnp.float32),
        scratch_shapes=[pltpu.VMEM((_NH, _NNEXT, _MD), jnp.bfloat16),
                        pltpu.VMEM((_MD, 2 * _MD), jnp.bfloat16)],
    )(obs_rows, tt_obs, tt_next, W_in_p, W_q, W_k, W_v, W_out)


def kernel(player_data, obs_list, next_list, W_in, time_table, W_q, W_k, W_v,
           W_out):
    player_flat = jnp.pad(
        player_data, ((0, 0), (0, 0), (0, _DP - _D))).reshape(_BS * _SEQ, _DP)
    obs_i = obs_list.astype(jnp.int32)
    next_i = next_list.astype(jnp.int32)
    rows, tto, ttn = _sc_gather(player_flat, obs_i, next_i, time_table)
    obs_rows = rows.reshape(_BS, _NOBS, _DP)
    W_in_p = jnp.pad(W_in, ((0, _DP - _D), (0, 0)))
    return _tc_attn(obs_rows, tto, ttn, W_in_p, W_q, W_k, W_v, W_out)

# --- scband reference (transcript-rebuilt; emitter-appended) ---
"""Pipeline reference for scband-nrtsi-38551626449322 (READ-ONLY COPY).

The authoritative reference and input builder live on the scoring server;
editing this copy changes nothing except your own understanding.
"""

import jax, jax.numpy as jnp
import numpy as np

BS, SEQ, D = 16, 2048, 44
MODEL_DIM, N_HEADS = 128, 8
DH = MODEL_DIM // N_HEADS
N_OBS, N_NEXT = 1024, 1024


def setup_inputs(seed: int = 0):
    key = jax.random.key(seed)
    ks = jax.random.split(key, 9)
    s = 0.05
    return {
        "player_data": jax.random.normal(ks[0], (BS, SEQ, D), dtype=jnp.float32),
        "obs_list": jnp.sort(jax.random.randint(ks[1], (N_OBS,), 0, SEQ)),
        "next_list": jnp.sort(jax.random.randint(ks[2], (N_NEXT,), 0, SEQ)),
        "W_in": jax.random.normal(ks[3], (D, MODEL_DIM), dtype=jnp.float32) * s,
        "time_table": jax.random.normal(ks[4], (SEQ, MODEL_DIM), dtype=jnp.float32) * s,
        "W_q": jax.random.normal(ks[5], (MODEL_DIM, MODEL_DIM), dtype=jnp.float32) * s,
        "W_k": jax.random.normal(ks[6], (MODEL_DIM, MODEL_DIM), dtype=jnp.float32) * s,
        "W_v": jax.random.normal(ks[7], (MODEL_DIM, MODEL_DIM), dtype=jnp.float32) * s,
        "W_out": jax.random.normal(ks[8], (MODEL_DIM, D), dtype=jnp.float32) * s,
    }


def _heads(x, W):
    h = x @ W
    b, n, _ = h.shape
    return h.reshape(b, n, N_HEADS, DH).transpose(0, 2, 1, 3)


def reference(player_data, obs_list, next_list, W_in, time_table, W_q, W_k, W_v, W_out):
    # NRTSI core imputation step: gather observed frames, impute missing frames
    bs = player_data.shape[0]
    # obs_data = player_data[:, obs_list, :]  (ragged gather of observed frames)
    obs_data = jnp.take(player_data, obs_list, axis=1)
    # encode observed frames with value projection + time encoding
    obs_emb = obs_data @ W_in + jnp.take(time_table, obs_list, axis=0)[None, :, :]
    # queries for frames to impute come from their time encodings
    q_emb = jnp.broadcast_to(jnp.take(time_table, next_list, axis=0)[None, :, :], (bs, next_list.shape[0], MODEL_DIM))
    q = _heads(q_emb, W_q)
    k = _heads(obs_emb, W_k)
    v = _heads(obs_emb, W_v)
    scores = jnp.einsum('bhqd,bhkd->bhqk', q, k) / jnp.sqrt(jnp.float32(DH))
    attn = jax.nn.softmax(scores, axis=-1)
    ctx = jnp.einsum('bhqk,bhkd->bhqd', attn, v)
    ctx = ctx.transpose(0, 2, 1, 3).reshape(bs, next_list.shape[0], MODEL_DIM)
    imputations = ctx @ W_out
    return imputations

if __name__ == "__main__":
    import jax
    _d = setup_inputs()
    print(jax.jit(kernel)(*tuple(_d.values())))

</pallas_src>

<mosaic_0001>
#map = affine_map<(d0, d1) -> (0, 0)>
#map1 = affine_map<(d0, d1) -> (0)>
module attributes {stable_mosaic.version = 14 : i64} {
  func.func @k(%arg0: i32, %arg1: i32, %arg2: memref<32768x128xf32, #tpu.memory_space<hbm>>, %arg3: memref<1024xi32, #tpu.memory_space<hbm>>, %arg4: memref<1024xi32, #tpu.memory_space<hbm>>, %arg5: memref<2048x128xf32, #tpu.memory_space<hbm>>, %arg6: memref<16384x128xf32, #tpu.memory_space<hbm>>, %arg7: memref<1024x128xf32, #tpu.memory_space<hbm>>, %arg8: memref<1024x128xf32, #tpu.memory_space<hbm>>, %arg9: memref<512xi32, #tpu.memory_space<vmem>>, %arg10: memref<512x128xf32, #tpu.memory_space<vmem>>, %arg11: memref<32xi32, #tpu.memory_space<vmem>>, %arg12: memref<32x128xf32, #tpu.memory_space<vmem>>, %arg13: memref<32xi32, #tpu.memory_space<vmem>>, %arg14: memref<32x128xf32, #tpu.memory_space<vmem>>, %arg15: memref<!tpu.dma_semaphore, #tpu.memory_space<semaphore_mem>>, %arg16: memref<!tpu.dma_semaphore, #tpu.memory_space<semaphore_mem>>, %arg17: memref<!tpu.dma_semaphore, #tpu.memory_space<semaphore_mem>>) attributes {dimension_semantics = [#tpu.dimension_semantics<core_parallel>, #tpu.dimension_semantics<subcore_parallel>], iteration_bounds = array<i64: 2, 16>, scalar_prefetch = 0 : i64, scratch_operands = 9 : i64, tpu.core_type = #tpu.core_type<sc_vector_subcore>, window_params = [{transform_indices = #map}, {transform_indices = #map1}, {transform_indices = #map1}, {transform_indices = #map}, {transform_indices = #map}, {transform_indices = #map}, {transform_indices = #map}]} {
    %mul3A = arith.constant 2 : i32
    %mul3A_0 = arith.muli %arg1, %mul3A : i32
    %add3A = arith.addi %mul3A_0, %arg0 : i32
    %jit3A = arith.constant 2 : i32
    %div3A = arith.divsi %add3A, %jit3A : i32
    %sign3A = arith.constant 0 : i32
    %sign3A_1 = arith.cmpi sgt, %add3A, %sign3A : i32
    %sign3A_2 = arith.extui %sign3A_1 : i1 to i32
    %sign3A_3 = arith.constant 0 : i32
    %sign3A_4 = arith.cmpi slt, %add3A, %sign3A_3 : i32
    %sign3A_5 = arith.extui %sign3A_4 : i1 to i32
    %sign3A_6 = arith.subi %sign3A_2, %sign3A_5 : i32
    %sign3A_7 = arith.constant 0 : i32
    %sign3A_8 = arith.cmpi sgt, %jit3A, %sign3A_7 : i32
    %sign3A_9 = arith.extui %sign3A_8 : i1 to i32
    %sign3A_10 = arith.constant 0 : i32
    %sign3A_11 = arith.cmpi slt, %jit3A, %sign3A_10 : i32
    %sign3A_12 = arith.extui %sign3A_11 : i1 to i32
    %sign3A_13 = arith.subi %sign3A_9, %sign3A_12 : i32
    %ne3A = arith.cmpi ne, %sign3A_6, %sign3A_13 : i32
    %rem3A = arith.remsi %add3A, %jit3A : i32
    %ne3A_14 = arith.constant 0 : i32
    %ne3A_15 = arith.cmpi ne, %rem3A, %ne3A_14 : i32
    %and3A = arith.andi %ne3A, %ne3A_15 : i1
    %sub3A = arith.constant 1 : i32
    %sub3A_16 = arith.subi %div3A, %sub3A : i32
    %select_n3A = arith.select %and3A, %sub3A_16, %div3A : i32
    %jit3A_17 = arith.constant 2 : i32
    %eq3A = arith.constant 0 : i32
    %eq3A_18 = arith.cmpi eq, %jit3A_17, %eq3A : i32
    %jit3A_19 = arith.constant 1 : i32
    %select_n3A_20 = arith.select %eq3A_18, %jit3A_19, %jit3A_17 : i32
    %rem3A_21 = arith.remsi %add3A, %select_n3A_20 : i32
    %ne3A_22 = arith.constant 0 : i32
    %ne3A_23 = arith.cmpi ne, %rem3A_21, %ne3A_22 : i32
    %lt3A = arith.constant 0 : i32
    %lt3A_24 = arith.cmpi slt, %rem3A_21, %lt3A : i32
    %lt3A_25 = arith.constant 0 : i32
    %lt3A_26 = arith.cmpi slt, %select_n3A_20, %lt3A_25 : i32
    %ne3A_27 = arith.xori %lt3A_24, %lt3A_26 : i1
    %and3A_28 = arith.andi %ne3A_27, %ne3A_23 : i1
    %add3A_29 = arith.addi %rem3A_21, %select_n3A_20 : i32
    %select_n3A_30 = arith.select %and3A_28, %add3A_29, %rem3A_21 : i32
    %mul3A_31 = arith.constant 512 : i32
    %mul3A_32 = arith.muli %select_n3A_30, %mul3A_31 : i32
    "tpu.region"() ({
      %run_scoped3A = tpu.sem_alloc : memref<!tpu.dma_semaphore, #tpu.memory_space<semaphore_mem>>
      %dma_start3A_350 = tpu.memref_slice %arg3[%mul3A_32] : memref<1024xi32, #tpu.memory_space<hbm>> -> memref<512xi32, #tpu.memory_space<hbm>>
      %dma_start3A_351 = tpu.memref_slice %arg3[%mul3A_32] : memref<1024xi32, #tpu.memory_space<hbm>> -> memref<512xi32, #tpu.memory_space<hbm>>
      tpu.enqueue_dma source(%dma_start3A_351 : memref<512xi32, #tpu.memory_space<hbm>>) target(%arg9 : memref<512xi32, #tpu.memory_space<vmem>>) target_semaphore(%run_scoped3A : memref<!tpu.dma_semaphore, #tpu.memory_space<semaphore_mem>>)
      %dma_wait3A_352 = tpu.memref_slice %arg3[%mul3A_32] : memref<1024xi32, #tpu.memory_space<hbm>> -> memref<512xi32, #tpu.memory_space<hbm>>
      %dma_wait3A_353 = tpu.memref_slice %arg3[%mul3A_32] : memref<1024xi32, #tpu.memory_space<hbm>> -> memref<512xi32, #tpu.memory_space<hbm>>
      tpu.wait_dma2 semaphore(%run_scoped3A : memref<!tpu.dma_semaphore, #tpu.memory_space<semaphore_mem>>) src(%dma_wait3A_353 : memref<512xi32, #tpu.memory_space<hbm>>) dst(%arg9 : memref<512xi32, #tpu.memory_space<vmem>>)
      tpu.yield
    }) : () -> ()
    %mul3A_33 = arith.constant 32 : i32
    %mul3A_34 = arith.muli %add3A, %mul3A_33 : i32
    "tpu.region"() ({
      %run_scoped3A = tpu.sem_alloc : memref<!tpu.dma_semaphore, #tpu.memory_space<semaphore_mem>>
      %dma_start3A_350 = tpu.memref_slice %arg3[%mul3A_34] : memref<1024xi32, #tpu.memory_space<hbm>> -> memref<32xi32, #tpu.memory_space<hbm>>
      %dma_start3A_351 = tpu.memref_slice %arg3[%mul3A_34] : memref<1024xi32, #tpu.memory_space<hbm>> -> memref<32xi32, #tpu.memory_space<hbm>>
      tpu.enqueue_dma source(%dma_start3A_351 : memref<32xi32, #tpu.memory_space<hbm>>) target(%arg11 : memref<32xi32, #tpu.memory_space<vmem>>) target_semaphore(%run_scoped3A : memref<!tpu.dma_semaphore, #tpu.memory_space<semaphore_mem>>)
      %dma_wait3A_352 = tpu.memref_slice %arg3[%mul3A_34] : memref<1024xi32, #tpu.memory_space<hbm>> -> memref<32xi32, #tpu.memory_space<hbm>>
      %dma_wait3A_353 = tpu.memref_slice %arg3[%mul3A_34] : memref<1024xi32, #tpu.memory_space<hbm>> -> memref<32xi32, #tpu.memory_space<hbm>>
      tpu.wait_dma2 semaphore(%run_scoped3A : memref<!tpu.dma_semaphore, #tpu.memory_space<semaphore_mem>>) src(%dma_wait3A_353 : memref<32xi32, #tpu.memory_space<hbm>>) dst(%arg11 : memref<32xi32, #tpu.memory_space<vmem>>)
      tpu.yield
    }) : () -> ()
    %mul3A_35 = arith.constant 32 : i32
    %mul3A_36 = arith.muli %add3A, %mul3A_35 : i32
    "tpu.region"() ({
      %run_scoped3A = tpu.sem_alloc : memref<!tpu.dma_semaphore, #tpu.memory_space<semaphore_mem>>
      %dma_start3A_350 = tpu.memref_slice %arg4[%mul3A_36] : memref<1024xi32, #tpu.memory_space<hbm>> -> memref<32xi32, #tpu.memory_space<hbm>>
      %dma_start3A_351 = tpu.memref_slice %arg4[%mul3A_36] : memref<1024xi32, #tpu.memory_space<hbm>> -> memref<32xi32, #tpu.memory_space<hbm>>
      tpu.enqueue_dma source(%dma_start3A_351 : memref<32xi32, #tpu.memory_space<hbm>>) target(%arg13 : memref<32xi32, #tpu.memory_space<vmem>>) target_semaphore(%run_scoped3A : memref<!tpu.dma_semaphore, #tpu.memory_space<semaphore_mem>>)
      %dma_wait3A_352 = tpu.memref_slice %arg4[%mul3A_36] : memref<1024xi32, #tpu.memory_space<hbm>> -> memref<32xi32, #tpu.memory_space<hbm>>
      %dma_wait3A_353 = tpu.memref_slice %arg4[%mul3A_36] : memref<1024xi32, #tpu.memory_space<hbm>> -> memref<32xi32, #tpu.memory_space<hbm>>
      tpu.wait_dma2 semaphore(%run_scoped3A : memref<!tpu.dma_semaphore, #tpu.memory_space<semaphore_mem>>) src(%dma_wait3A_353 : memref<32xi32, #tpu.memory_space<hbm>>) dst(%arg13 : memref<32xi32, #tpu.memory_space<vmem>>)
      tpu.yield
    }) : () -> ()
    %mul3A_37 = arith.constant 2048 : i32
    %mul3A_38 = arith.muli %select_n3A, %mul3A_37 : i32
    %get3A = arith.constant 0 : index
    %get3A_39 = tpu.vector_load %arg9[%get3A] {strides = array<i32>} : memref<512xi32, #tpu.memory_space<vmem>>, vector<16xi32>,
    %get3A_40 = vector.shape_cast %get3A_39 : vector<16xi32> to vector<16xi32>
    %add3A_41 = vector.broadcast %mul3A_38 : i32 to vector<16xi32>
    %add3A_42 = arith.addi %get3A_40, %add3A_41 : vector<16xi32>
    %swap3A = arith.constant 0 : index
    %swap3A_43 = tpu.vector_load %arg9[%swap3A] {strides = array<i32>} : memref<512xi32, #tpu.memory_space<vmem>>, vector<16xi32>,
    %swap3A_44 = vector.shape_cast %swap3A_43 : vector<16xi32> to vector<16xi32>
    %swap3A_45 = vector.shape_cast %add3A_42 : vector<16xi32> to vector<16xi32>
    tpu.vector_store %arg9[%swap3A], %swap3A_45 {strides = array<i32>} : memref<512xi32, #tpu.memory_space<vmem>>, vector<16xi32>,
    %get3A_46 = arith.constant 16 : index
    %get3A_47 = tpu.vector_load %arg9[%get3A_46] {strides = array<i32>} : memref<512xi32, #tpu.memory_space<vmem>>, vector<16xi32>,
    %get3A_48 = vector.shape_cast %get3A_47 : vector<16xi32> to vector<16xi32>
    %add3A_49 = vector.broadcast %mul3A_38 : i32 to vector<16xi32>
    %add3A_50 = arith.addi %get3A_48, %add3A_49 : vector<16xi32>
    %swap3A_51 = arith.constant 16 : index
    %swap3A_52 = tpu.vector_load %arg9[%swap3A_51] {strides = array<i32>} : memref<512xi32, #tpu.memory_space<vmem>>, vector<16xi32>,
    %swap3A_53 = vector.shape_cast %swap3A_52 : vector<16xi32> to vector<16xi32>
    %swap3A_54 = vector.shape_cast %add3A_50 : vector<16xi32> to vector<16xi32>
    tpu.vector_store %arg9[%swap3A_51], %swap3A_54 {strides = array<i32>} : memref<512xi32, #tpu.memory_space<vmem>>, vector<16xi32>,
    %get3A_55 = arith.constant 32 : index
    %get3A_56 = tpu.vector_load %arg9[%get3A_55] {strides = array<i32>} : memref<512xi32, #tpu.memory_space<vmem>>, vector<16xi32>,
    %get3A_57 = vector.shape_cast %get3A_56 : vector<16xi32> to vector<16xi32>
    %add3A_58 = vector.broadcast %mul3A_38 : i32 to vector<16xi32>
    %add3A_59 = arith.addi %get3A_57, %add3A_58 : vector<16xi32>
    %swap3A_60 = arith.constant 32 : index
    %swap3A_61 = tpu.vector_load %arg9[%swap3A_60] {strides = array<i32>} : memref<512xi32, #tpu.memory_space<vmem>>, vector<16xi32>,
    %swap3A_62 = vector.shape_cast %swap3A_61 : vector<16xi32> to vector<16xi32>
    %swap3A_63 = vector.shape_cast %add3A_59 : vector<16xi32> to vector<16xi32>
    tpu.vector_store %arg9[%swap3A_60], %swap3A_63 {strides = array<i32>} : memref<512xi32, #tpu.memory_space<vmem>>, vector<16xi32>,
    %get3A_64 = arith.constant 48 : index
    %get3A_65 = tpu.vector_load %arg9[%get3A_64] {strides = array<i32>} : memref<512xi32, #tpu.memory_space<vmem>>, vector<16xi32>,
    %get3A_66 = vector.shape_cast %get3A_65 : vector<16xi32> to vector<16xi32>
    %add3A_67 = vector.broadcast %mul3A_38 : i32 to vector<16xi32>
    %add3A_68 = arith.addi %get3A_66, %add3A_67 : vector<16xi32>
    %swap3A_69 = arith.constant 48 : index
    %swap3A_70 = tpu.vector_load %arg9[%swap3A_69] {strides = array<i32>} : memref<512xi32, #tpu.memory_space<vmem>>, vector<16xi32>,
    %swap3A_71 = vector.shape_cast %swap3A_70 : vector<16xi32> to vector<16xi32>
    %swap3A_72 = vector.shape_cast %add3A_68 : vector<16xi32> to vector<16xi32>
    tpu.vector_store %arg9[%swap3A_69], %swap3A_72 {strides = array<i32>} : memref<512xi32, #tpu.memory_space<vmem>>, vector<16xi32>,
    %get3A_73 = arith.constant 64 : index
    %get3A_74 = tpu.vector_load %arg9[%get3A_73] {strides = array<i32>} : memref<512xi32, #tpu.memory_space<vmem>>, vector<16xi32>,
    %get3A_75 = vector.shape_cast %get3A_74 : vector<16xi32> to vector<16xi32>
    %add3A_76 = vector.broadcast %mul3A_38 : i32 to vector<16xi32>
    %add3A_77 = arith.addi %get3A_75, %add3A_76 : vector<16xi32>
    %swap3A_78 = arith.constant 64 : index
    %swap3A_79 = tpu.vector_load %arg9[%swap3A_78] {strides = array<i32>} : memref<512xi32, #tpu.memory_space<vmem>>, vector<16xi32>,
    %swap3A_80 = vector.shape_cast %swap3A_79 : vector<16xi32> to vector<16xi32>
    %swap3A_81 = vector.shape_cast %add3A_77 : vector<16xi32> to vector<16xi32>
    tpu.vector_store %arg9[%swap3A_78], %swap3A_81 {strides = array<i32>} : memref<512xi32, #tpu.memory_space<vmem>>, vector<16xi32>,
    %get3A_82 = arith.constant 80 : index
    %get3A_83 = tpu.vector_load %arg9[%get3A_82] {strides = array<i32>} : memref<512xi32, #tpu.memory_space<vmem>>, vector<16xi32>,
    %get3A_84 = vector.shape_cast %get3A_83 : vector<16xi32> to vector<16xi32>
    %add3A_85 = vector.broadcast %mul3A_38 : i32 to vector<16xi32>
    %add3A_86 = arith.addi %get3A_84, %add3A_85 : vector<16xi32>
    %swap3A_87 = arith.constant 80 : index
    %swap3A_88 = tpu.vector_load %arg9[%swap3A_87] {strides = array<i32>} : memref<512xi32, #tpu.memory_space<vmem>>, vector<16xi32>,
    %swap3A_89 = vector.shape_cast %swap3A_88 : vector<16xi32> to vector<16xi32>
    %swap3A_90 = vector.shape_cast %add3A_86 : vector<16xi32> to vector<16xi32>
    tpu.vector_store %arg9[%swap3A_87], %swap3A_90 {strides = array<i32>} : memref<512xi32, #tpu.memory_space<vmem>>, vector<16xi32>,
    %get3A_91 = arith.constant 96 : index
    %get3A_92 = tpu.vector_load %arg9[%get3A_91] {strides = array<i32>} : memref<512xi32, #tpu.memory_space<vmem>>, vector<16xi32>,
    %get3A_93 = vector.shape_cast %get3A_92 : vector<16xi32> to vector<16xi32>
    %add3A_94 = vector.broadcast %mul3A_38 : i32 to vector<16xi32>
    %add3A_95 = arith.addi %get3A_93, %add3A_94 : vector<16xi32>
    %swap3A_96 = arith.constant 96 : index
    %swap3A_97 = tpu.vector_load %arg9[%swap3A_96] {strides = array<i32>} : memref<512xi32, #tpu.memory_space<vmem>>, vector<16xi32>,
    %swap3A_98 = vector.shape_cast %swap3A_97 : vector<16xi32> to vector<16xi32>
    %swap3A_99 = vector.shape_cast %add3A_95 : vector<16xi32> to vector<16xi32>
    tpu.vector_store %arg9[%swap3A_96], %swap3A_99 {strides = array<i32>} : memref<512xi32, #tpu.memory_space<vmem>>, vector<16xi32>,
    %get3A_100 = arith.constant 112 : index
    %get3A_101 = tpu.vector_load %arg9[%get3A_100] {strides = array<i32>} : memref<512xi32, #tpu.memory_space<vmem>>, vector<16xi32>,
    %get3A_102 = vector.shape_cast %get3A_101 : vector<16xi32> to vector<16xi32>
    %add3A_103 = vector.broadcast %mul3A_38 : i32 to vector<16xi32>
    %add3A_104 = arith.addi %get3A_102, %add3A_103 : vector<16xi32>
    %swap3A_105 = arith.constant 112 : index
    %swap3A_106 = tpu.vector_load %arg9[%swap3A_105] {strides = array<i32>} : memref<512xi32, #tpu.memory_space<vmem>>, vector<16xi32>,
    %swap3A_107 = vector.shape_cast %swap3A_106 : vector<16xi32> to vector<16xi32>
    %swap3A_108 = vector.shape_cast %add3A_104 : vector<16xi32> to vector<16xi32>
    tpu.vector_store %arg9[%swap3A_105], %swap3A_108 {strides = array<i32>} : memref<512xi32, #tpu.memory_space<vmem>>, vector<16xi32>,
    %get3A_109 = arith.constant 128 : index
    %get3A_110 = tpu.vector_load %arg9[%get3A_109] {strides = array<i32>} : memref<512xi32, #tpu.memory_space<vmem>>, vector<16xi32>,
    %get3A_111 = vector.shape_cast %get3A_110 : vector<16xi32> to vector<16xi32>
    %add3A_112 = vector.broadcast %mul3A_38 : i32 to vector<16xi32>
    %add3A_113 = arith.addi %get3A_111, %add3A_112 : vector<16xi32>
    %swap3A_114 = arith.constant 128 : index
    %swap3A_115 = tpu.vector_load %arg9[%swap3A_114] {strides = array<i32>} : memref<512xi32, #tpu.memory_space<vmem>>, vector<16xi32>,
    %swap3A_116 = vector.shape_cast %swap3A_115 : vector<16xi32> to vector<16xi32>
    %swap3A_117 = vector.shape_cast %add3A_113 : vector<16xi32> to vector<16xi32>
    tpu.vector_store %arg9[%swap3A_114], %swap3A_117 {strides = array<i32>} : memref<512xi32, #tpu.memory_space<vmem>>, vector<16xi32>,
    %get3A_118 = arith.constant 144 : index
    %get3A_119 = tpu.vector_load %arg9[%get3A_118] {strides = array<i32>} : memref<512xi32, #tpu.memory_space<vmem>>, vector<16xi32>,
    %get3A_120 = vector.shape_cast %get3A_119 : vector<16xi32> to vector<16xi32>
    %add3A_121 = vector.broadcast %mul3A_38 : i32 to vector<16xi32>
    %add3A_122 = arith.addi %get3A_120, %add3A_121 : vector<16xi32>
    %swap3A_123 = arith.constant 144 : index
    %swap3A_124 = tpu.vector_load %arg9[%swap3A_123] {strides = array<i32>} : memref<512xi32, #tpu.memory_space<vmem>>, vector<16xi32>,
    %swap3A_125 = vector.shape_cast %swap3A_124 : vector<16xi32> to vector<16xi32>
    %swap3A_126 = vector.shape_cast %add3A_122 : vector<16xi32> to vector<16xi32>
    tpu.vector_store %arg9[%swap3A_123], %swap3A_126 {strides = array<i32>} : memref<512xi32, #tpu.memory_space<vmem>>, vector<16xi32>,
    %get3A_127 = arith.constant 160 : index
    %get3A_128 = tpu.vector_load %arg9[%get3A_127] {strides = array<i32>} : memref<512xi32, #tpu.memory_space<vmem>>, vector<16xi32>,
    %get3A_129 = vector.shape_cast %get3A_128 : vector<16xi32> to vector<16xi32>
    %add3A_130 = vector.broadcast %mul3A_38 : i32 to vector<16xi32>
    %add3A_131 = arith.addi %get3A_129, %add3A_130 : vector<16xi32>
    %swap3A_132 = arith.constant 160 : index
    %swap3A_133 = tpu.vector_load %arg9[%swap3A_132] {strides = array<i32>} : memref<512xi32, #tpu.memory_space<vmem>>, vector<16xi32>,
    %swap3A_134 = vector.shape_cast %swap3A_133 : vector<16xi32> to vector<16xi32>
    %swap3A_135 = vector.shape_cast %add3A_131 : vector<16xi32> to vector<16xi32>
    tpu.vector_store %arg9[%swap3A_132], %swap3A_135 {strides = array<i32>} : memref<512xi32, #tpu.memory_space<vmem>>, vector<16xi32>,
    %get3A_136 = arith.constant 176 : index
    %get3A_137 = tpu.vector_load %arg9[%get3A_136] {strides = array<i32>} : memref<512xi32, #tpu.memory_space<vmem>>, vector<16xi32>,
    %get3A_138 = vector.shape_cast %get3A_137 : vector<16xi32> to vector<16xi32>
    %add3A_139 = vector.broadcast %mul3A_38 : i32 to vector<16xi32>
    %add3A_140 = arith.addi %get3A_138, %add3A_139 : vector<16xi32>
    %swap3A_141 = arith.constant 176 : index
    %swap3A_142 = tpu.vector_load %arg9[%swap3A_141] {strides = array<i32>} : memref<512xi32, #tpu.memory_space<vmem>>, vector<16xi32>,
    %swap3A_143 = vector.shape_cast %swap3A_142 : vector<16xi32> to vector<16xi32>
    %swap3A_144 = vector.shape_cast %add3A_140 : vector<16xi32> to vector<16xi32>
    tpu.vector_store %arg9[%swap3A_141], %swap3A_144 {strides = array<i32>} : memref<512xi32, #tpu.memory_space<vmem>>, vector<16xi32>,
    %get3A_145 = arith.constant 192 : index
    %get3A_146 = tpu.vector_load %arg9[%get3A_145] {strides = array<i32>} : memref<512xi32, #tpu.memory_space<vmem>>, vector<16xi32>,
    %get3A_147 = vector.shape_cast %get3A_146 : vector<16xi32> to vector<16xi32>
    %add3A_148 = vector.broadcast %mul3A_38 : i32 to vector<16xi32>
    %add3A_149 = arith.addi %get3A_147, %add3A_148 : vector<16xi32>
    %swap3A_150 = arith.constant 192 : index
    %swap3A_151 = tpu.vector_load %arg9[%swap3A_150] {strides = array<i32>} : memref<512xi32, #tpu.memory_space<vmem>>, vector<16xi32>,
    %swap3A_152 = vector.shape_cast %swap3A_151 : vector<16xi32> to vector<16xi32>
    %swap3A_153 = vector.shape_cast %add3A_149 : vector<16xi32> to vector<16xi32>
    tpu.vector_store %arg9[%swap3A_150], %swap3A_153 {strides = array<i32>} : memref<512xi32, #tpu.memory_space<vmem>>, vector<16xi32>,
    %get3A_154 = arith.constant 208 : index
    %get3A_155 = tpu.vector_load %arg9[%get3A_154] {strides = array<i32>} : memref<512xi32, #tpu.memory_space<vmem>>, vector<16xi32>,
    %get3A_156 = vector.shape_cast %get3A_155 : vector<16xi32> to vector<16xi32>
    %add3A_157 = vector.broadcast %mul3A_38 : i32 to vector<16xi32>
    %add3A_158 = arith.addi %get3A_156, %add3A_157 : vector<16xi32>
    %swap3A_159 = arith.constant 208 : index
    %swap3A_160 = tpu.vector_load %arg9[%swap3A_159] {strides = array<i32>} : memref<512xi32, #tpu.memory_space<vmem>>, vector<16xi32>,
    %swap3A_161 = vector.shape_cast %swap3A_160 : vector<16xi32> to vector<16xi32>
    %swap3A_162 = vector.shape_cast %add3A_158 : vector<16xi32> to vector<16xi32>
    tpu.vector_store %arg9[%swap3A_159], %swap3A_162 {strides = array<i32>} : memref<512xi32, #tpu.memory_space<vmem>>, vector<16xi32>,
    %get3A_163 = arith.constant 224 : index
    %get3A_164 = tpu.vector_load %arg9[%get3A_163] {strides = array<i32>} : memref<512xi32, #tpu.memory_space<vmem>>, vector<16xi32>,
    %get3A_165 = vector.shape_cast %get3A_164 : vector<16xi32> to vector<16xi32>
    %add3A_166 = vector.broadcast %mul3A_38 : i32 to vector<16xi32>
    %add3A_167 = arith.addi %get3A_165, %add3A_166 : vector<16xi32>
    %swap3A_168 = arith.constant 224 : index
    %swap3A_169 = tpu.vector_load %arg9[%swap3A_168] {strides = array<i32>} : memref<512xi32, #tpu.memory_space<vmem>>, vector<16xi32>,
    %swap3A_170 = vector.shape_cast %swap3A_169 : vector<16xi32> to vector<16xi32>
    %swap3A_171 = vector.shape_cast %add3A_167 : vector<16xi32> to vector<16xi32>
    tpu.vector_store %arg9[%swap3A_168], %swap3A_171 {strides = array<i32>} : memref<512xi32, #tpu.memory_space<vmem>>, vector<16xi32>,
    %get3A_172 = arith.constant 240 : index
    %get3A_173 = tpu.vector_load %arg9[%get3A_172] {strides = array<i32>} : memref<512xi32, #tpu.memory_space<vmem>>, vector<16xi32>,
    %get3A_174 = vector.shape_cast %get3A_173 : vector<16xi32> to vector<16xi32>
    %add3A_175 = vector.broadcast %mul3A_38 : i32 to vector<16xi32>
    %add3A_176 = arith.addi %get3A_174, %add3A_175 : vector<16xi32>
    %swap3A_177 = arith.constant 240 : index
    %swap3A_178 = tpu.vector_load %arg9[%swap3A_177] {strides = array<i32>} : memref<512xi32, #tpu.memory_space<vmem>>, vector<16xi32>,
    %swap3A_179 = vector.shape_cast %swap3A_178 : vector<16xi32> to vector<16xi32>
    %swap3A_180 = vector.shape_cast %add3A_176 : vector<16xi32> to vector<16xi32>
    tpu.vector_store %arg9[%swap3A_177], %swap3A_180 {strides = array<i32>} : memref<512xi32, #tpu.memory_space<vmem>>, vector<16xi32>,
    %get3A_181 = arith.constant 256 : index
    %get3A_182 = tpu.vector_load %arg9[%get3A_181] {strides = array<i32>} : memref<512xi32, #tpu.memory_space<vmem>>, vector<16xi32>,
    %get3A_183 = vector.shape_cast %get3A_182 : vector<16xi32> to vector<16xi32>
    %add3A_184 = vector.broadcast %mul3A_38 : i32 to vector<16xi32>
    %add3A_185 = arith.addi %get3A_183, %add3A_184 : vector<16xi32>
    %swap3A_186 = arith.constant 256 : index
    %swap3A_187 = tpu.vector_load %arg9[%swap3A_186] {strides = array<i32>} : memref<512xi32, #tpu.memory_space<vmem>>, vector<16xi32>,
    %swap3A_188 = vector.shape_cast %swap3A_187 : vector<16xi32> to vector<16xi32>
    %swap3A_189 = vector.shape_cast %add3A_185 : vector<16xi32> to vector<16xi32>
    tpu.vector_store %arg9[%swap3A_186], %swap3A_189 {strides = array<i32>} : memref<512xi32, #tpu.memory_space<vmem>>, vector<16xi32>,
    %get3A_190 = arith.constant 272 : index
    %get3A_191 = tpu.vector_load %arg9[%get3A_190] {strides = array<i32>} : memref<512xi32, #tpu.memory_space<vmem>>, vector<16xi32>,
    %get3A_192 = vector.shape_cast %get3A_191 : vector<16xi32> to vector<16xi32>
    %add3A_193 = vector.broadcast %mul3A_38 : i32 to vector<16xi32>
    %add3A_194 = arith.addi %get3A_192, %add3A_193 : vector<16xi32>
    %swap3A_195 = arith.constant 272 : index
    %swap3A_196 = tpu.vector_load %arg9[%swap3A_195] {strides = array<i32>} : memref<512xi32, #tpu.memory_space<vmem>>, vector<16xi32>,
    %swap3A_197 = vector.shape_cast %swap3A_196 : vector<16xi32> to vector<16xi32>
    %swap3A_198 = vector.shape_cast %add3A_194 : vector<16xi32> to vector<16xi32>
    tpu.vector_store %arg9[%swap3A_195], %swap3A_198 {strides = array<i32>} : memref<512xi32, #tpu.memory_space<vmem>>, vector<16xi32>,
    %get3A_199 = arith.constant 288 : index
    %get3A_200 = tpu.vector_load %arg9[%get3A_199] {strides = array<i32>} : memref<512xi32, #tpu.memory_space<vmem>>, vector<16xi32>,
    %get3A_201 = vector.shape_cast %get3A_200 : vector<16xi32> to vector<16xi32>
    %add3A_202 = vector.broadcast %mul3A_38 : i32 to vector<16xi32>
    %add3A_203 = arith.addi %get3A_201, %add3A_202 : vector<16xi32>
    %swap3A_204 = arith.constant 288 : index
    %swap3A_205 = tpu.vector_load %arg9[%swap3A_204] {strides = array<i32>} : memref<512xi32, #tpu.memory_space<vmem>>, vector<16xi32>,
    %swap3A_206 = vector.shape_cast %swap3A_205 : vector<16xi32> to vector<16xi32>
    %swap3A_207 = vector.shape_cast %add3A_203 : vector<16xi32> to vector<16xi32>
    tpu.vector_store %arg9[%swap3A_204], %swap3A_207 {strides = array<i32>} : memref<512xi32, #tpu.memory_space<vmem>>, vector<16xi32>,
    %get3A_208 = arith.constant 304 : index
    %get3A_209 = tpu.vector_load %arg9[%get3A_208] {strides = array<i32>} : memref<512xi32, #tpu.memory_space<vmem>>, vector<16xi32>,
    %get3A_210 = vector.shape_cast %get3A_209 : vector<16xi32> to vector<16xi32>
    %add3A_211 = vector.broadcast %mul3A_38 : i32 to vector<16xi32>
    %add3A_212 = arith.addi %get3A_210, %add3A_211 : vector<16xi32>
    %swap3A_213 = arith.constant 304 : index
    %swap3A_214 = tpu.vector_load %arg9[%swap3A_213] {strides = array<i32>} : memref<512xi32, #tpu.memory_space<vmem>>, vector<16xi32>,
    %swap3A_215 = vector.shape_cast %swap3A_214 : vector<16xi32> to vector<16xi32>
    %swap3A_216 = vector.shape_cast %add3A_212 : vector<16xi32> to vector<16xi32>
    tpu.vector_store %arg9[%swap3A_213], %swap3A_216 {strides = array<i32>} : memref<512xi32, #tpu.memory_space<vmem>>, vector<16xi32>,
    %get3A_217 = arith.constant 320 : index
    %get3A_218 = tpu.vector_load %arg9[%get3A_217] {strides = array<i32>} : memref<512xi32, #tpu.memory_space<vmem>>, vector<16xi32>,
    %get3A_219 = vector.shape_cast %get3A_218 : vector<16xi32> to vector<16xi32>
    %add3A_220 = vector.broadcast %mul3A_38 : i32 to vector<16xi32>
    %add3A_221 = arith.addi %get3A_219, %add3A_220 : vector<16xi32>
    %swap3A_222 = arith.constant 320 : index
    %swap3A_223 = tpu.vector_load %arg9[%swap3A_222] {strides = array<i32>} : memref<512xi32, #tpu.memory_space<vmem>>, vector<16xi32>,
    %swap3A_224 = vector.shape_cast %swap3A_223 : vector<16xi32> to vector<16xi32>
    %swap3A_225 = vector.shape_cast %add3A_221 : vector<16xi32> to vector<16xi32>
    tpu.vector_store %arg9[%swap3A_222], %swap3A_225 {strides = array<i32>} : memref<512xi32, #tpu.memory_space<vmem>>, vector<16xi32>,
    %get3A_226 = arith.constant 336 : index
    %get3A_227 = tpu.vector_load %arg9[%get3A_226] {strides = array<i32>} : memref<512xi32, #tpu.memory_space<vmem>>, vector<16xi32>,
    %get3A_228 = vector.shape_cast %get3A_227 : vector<16xi32> to vector<16xi32>
    %add3A_229 = vector.broadcast %mul3A_38 : i32 to vector<16xi32>
    %add3A_230 = arith.addi %get3A_228, %add3A_229 : vector<16xi32>
    %swap3A_231 = arith.constant 336 : index
    %swap3A_232 = tpu.vector_load %arg9[%swap3A_231] {strides = array<i32>} : memref<512xi32, #tpu.memory_space<vmem>>, vector<16xi32>,
    %swap3A_233 = vector.shape_cast %swap3A_232 : vector<16xi32> to vector<16xi32>
    %swap3A_234 = vector.shape_cast %add3A_230 : vector<16xi32> to vector<16xi32>
    tpu.vector_store %arg9[%swap3A_231], %swap3A_234 {strides = array<i32>} : memref<512xi32, #tpu.memory_space<vmem>>, vector<16xi32>,
    %get3A_235 = arith.constant 352 : index
    %get3A_236 = tpu.vector_load %arg9[%get3A_235] {strides = array<i32>} : memref<512xi32, #tpu.memory_space<vmem>>, vector<16xi32>,
    %get3A_237 = vector.shape_cast %get3A_236 : vector<16xi32> to vector<16xi32>
    %add3A_238 = vector.broadcast %mul3A_38 : i32 to vector<16xi32>
    %add3A_239 = arith.addi %get3A_237, %add3A_238 : vector<16xi32>
    %swap3A_240 = arith.constant 352 : index
    %swap3A_241 = tpu.vector_load %arg9[%swap3A_240] {strides = array<i32>} : memref<512xi32, #tpu.memory_space<vmem>>, vector<16xi32>,
    %swap3A_242 = vector.shape_cast %swap3A_241 : vector<16xi32> to vector<16xi32>
    %swap3A_243 = vector.shape_cast %add3A_239 : vector<16xi32> to vector<16xi32>
    tpu.vector_store %arg9[%swap3A_240], %swap3A_243 {strides = array<i32>} : memref<512xi32, #tpu.memory_space<vmem>>, vector<16xi32>,
    %get3A_244 = arith.constant 368 : index
    %get3A_245 = tpu.vector_load %arg9[%get3A_244] {strides = array<i32>} : memref<512xi32, #tpu.memory_space<vmem>>, vector<16xi32>,
    %get3A_246 = vector.shape_cast %get3A_245 : vector<16xi32> to vector<16xi32>
    %add3A_247 = vector.broadcast %mul3A_38 : i32 to vector<16xi32>
    %add3A_248 = arith.addi %get3A_246, %add3A_247 : vector<16xi32>
    %swap3A_249 = arith.constant 368 : index
    %swap3A_250 = tpu.vector_load %arg9[%swap3A_249] {strides = array<i32>} : memref<512xi32, #tpu.memory_space<vmem>>, vector<16xi32>,
    %swap3A_251 = vector.shape_cast %swap3A_250 : vector<16xi32> to vector<16xi32>
    %swap3A_252 = vector.shape_cast %add3A_248 : vector<16xi32> to vector<16xi32>
    tpu.vector_store %arg9[%swap3A_249], %swap3A_252 {strides = array<i32>} : memref<512xi32, #tpu.memory_space<vmem>>, vector<16xi32>,
    %get3A_253 = arith.constant 384 : index
    %get3A_254 = tpu.vector_load %arg9[%get3A_253] {strides = array<i32>} : memref<512xi32, #tpu.memory_space<vmem>>, vector<16xi32>,
    %get3A_255 = vector.shape_cast %get3A_254 : vector<16xi32> to vector<16xi32>
    %add3A_256 = vector.broadcast %mul3A_38 : i32 to vector<16xi32>
    %add3A_257 = arith.addi %get3A_255, %add3A_256 : vector<16xi32>
    %swap3A_258 = arith.constant 384 : index
    %swap3A_259 = tpu.vector_load %arg9[%swap3A_258] {strides = array<i32>} : memref<512xi32, #tpu.memory_space<vmem>>, vector<16xi32>,
    %swap3A_260 = vector.shape_cast %swap3A_259 : vector<16xi32> to vector<16xi32>
    %swap3A_261 = vector.shape_cast %add3A_257 : vector<16xi32> to vector<16xi32>
    tpu.vector_store %arg9[%swap3A_258], %swap3A_261 {strides = array<i32>} : memref<512xi32, #tpu.memory_space<vmem>>, vector<16xi32>,
    %get3A_262 = arith.constant 400 : index
    %get3A_263 = tpu.vector_load %arg9[%get3A_262] {strides = array<i32>} : memref<512xi32, #tpu.memory_space<vmem>>, vector<16xi32>,
    %get3A_264 = vector.shape_cast %get3A_263 : vector<16xi32> to vector<16xi32>
    %add3A_265 = vector.broadcast %mul3A_38 : i32 to vector<16xi32>
    %add3A_266 = arith.addi %get3A_264, %add3A_265 : vector<16xi32>
    %swap3A_267 = arith.constant 400 : index
    %swap3A_268 = tpu.vector_load %arg9[%swap3A_267] {strides = array<i32>} : memref<512xi32, #tpu.memory_space<vmem>>, vector<16xi32>,
    %swap3A_269 = vector.shape_cast %swap3A_268 : vector<16xi32> to vector<16xi32>
    %swap3A_270 = vector.shape_cast %add3A_266 : vector<16xi32> to vector<16xi32>
    tpu.vector_store %arg9[%swap3A_267], %swap3A_270 {strides = array<i32>} : memref<512xi32, #tpu.memory_space<vmem>>, vector<16xi32>,
    %get3A_271 = arith.constant 416 : index
    %get3A_272 = tpu.vector_load %arg9[%get3A_271] {strides = array<i32>} : memref<512xi32, #tpu.memory_space<vmem>>, vector<16xi32>,
    %get3A_273 = vector.shape_cast %get3A_272 : vector<16xi32> to vector<16xi32>
    %add3A_274 = vector.broadcast %mul3A_38 : i32 to vector<16xi32>
    %add3A_275 = arith.addi %get3A_273, %add3A_274 : vector<16xi32>
    %swap3A_276 = arith.constant 416 : index
    %swap3A_277 = tpu.vector_load %arg9[%swap3A_276] {strides = array<i32>} : memref<512xi32, #tpu.memory_space<vmem>>, vector<16xi32>,
    %swap3A_278 = vector.shape_cast %swap3A_277 : vector<16xi32> to vector<16xi32>
    %swap3A_279 = vector.shape_cast %add3A_275 : vector<16xi32> to vector<16xi32>
    tpu.vector_store %arg9[%swap3A_276], %swap3A_279 {strides = array<i32>} : memref<512xi32, #tpu.memory_space<vmem>>, vector<16xi32>,
    %get3A_280 = arith.constant 432 : index
    %get3A_281 = tpu.vector_load %arg9[%get3A_280] {strides = array<i32>} : memref<512xi32, #tpu.memory_space<vmem>>, vector<16xi32>,
    %get3A_282 = vector.shape_cast %get3A_281 : vector<16xi32> to vector<16xi32>
    %add3A_283 = vector.broadcast %mul3A_38 : i32 to vector<16xi32>
    %add3A_284 = arith.addi %get3A_282, %add3A_283 : vector<16xi32>
    %swap3A_285 = arith.constant 432 : index
    %swap3A_286 = tpu.vector_load %arg9[%swap3A_285] {strides = array<i32>} : memref<512xi32, #tpu.memory_space<vmem>>, vector<16xi32>,
    %swap3A_287 = vector.shape_cast %swap3A_286 : vector<16xi32> to vector<16xi32>
    %swap3A_288 = vector.shape_cast %add3A_284 : vector<16xi32> to vector<16xi32>
    tpu.vector_store %arg9[%swap3A_285], %swap3A_288 {strides = array<i32>} : memref<512xi32, #tpu.memory_space<vmem>>, vector<16xi32>,
    %get3A_289 = arith.constant 448 : index
    %get3A_290 = tpu.vector_load %arg9[%get3A_289] {strides = array<i32>} : memref<512xi32, #tpu.memory_space<vmem>>, vector<16xi32>,
    %get3A_291 = vector.shape_cast %get3A_290 : vector<16xi32> to vector<16xi32>
    %add3A_292 = vector.broadcast %mul3A_38 : i32 to vector<16xi32>
    %add3A_293 = arith.addi %get3A_291, %add3A_292 : vector<16xi32>
    %swap3A_294 = arith.constant 448 : index
    %swap3A_295 = tpu.vector_load %arg9[%swap3A_294] {strides = array<i32>} : memref<512xi32, #tpu.memory_space<vmem>>, vector<16xi32>,
    %swap3A_296 = vector.shape_cast %swap3A_295 : vector<16xi32> to vector<16xi32>
    %swap3A_297 = vector.shape_cast %add3A_293 : vector<16xi32> to vector<16xi32>
    tpu.vector_store %arg9[%swap3A_294], %swap3A_297 {strides = array<i32>} : memref<512xi32, #tpu.memory_space<vmem>>, vector<16xi32>,
    %get3A_298 = arith.constant 464 : index
    %get3A_299 = tpu.vector_load %arg9[%get3A_298] {strides = array<i32>} : memref<512xi32, #tpu.memory_space<vmem>>, vector<16xi32>,
    %get3A_300 = vector.shape_cast %get3A_299 : vector<16xi32> to vector<16xi32>
    %add3A_301 = vector.broadcast %mul3A_38 : i32 to vector<16xi32>
    %add3A_302 = arith.addi %get3A_300, %add3A_301 : vector<16xi32>
    %swap3A_303 = arith.constant 464 : index
    %swap3A_304 = tpu.vector_load %arg9[%swap3A_303] {strides = array<i32>} : memref<512xi32, #tpu.memory_space<vmem>>, vector<16xi32>,
    %swap3A_305 = vector.shape_cast %swap3A_304 : vector<16xi32> to vector<16xi32>
    %swap3A_306 = vector.shape_cast %add3A_302 : vector<16xi32> to vector<16xi32>
    tpu.vector_store %arg9[%swap3A_303], %swap3A_306 {strides = array<i32>} : memref<512xi32, #tpu.memory_space<vmem>>, vector<16xi32>,
    %get3A_307 = arith.constant 480 : index
    %get3A_308 = tpu.vector_load %arg9[%get3A_307] {strides = array<i32>} : memref<512xi32, #tpu.memory_space<vmem>>, vector<16xi32>,
    %get3A_309 = vector.shape_cast %get3A_308 : vector<16xi32> to vector<16xi32>
    %add3A_310 = vector.broadcast %mul3A_38 : i32 to vector<16xi32>
    %add3A_311 = arith.addi %get3A_309, %add3A_310 : vector<16xi32>
    %swap3A_312 = arith.constant 480 : index
    %swap3A_313 = tpu.vector_load %arg9[%swap3A_312] {strides = array<i32>} : memref<512xi32, #tpu.memory_space<vmem>>, vector<16xi32>,
    %swap3A_314 = vector.shape_cast %swap3A_313 : vector<16xi32> to vector<16xi32>
    %swap3A_315 = vector.shape_cast %add3A_311 : vector<16xi32> to vector<16xi32>
    tpu.vector_store %arg9[%swap3A_312], %swap3A_315 {strides = array<i32>} : memref<512xi32, #tpu.memory_space<vmem>>, vector<16xi32>,
    %get3A_316 = arith.constant 496 : index
    %get3A_317 = tpu.vector_load %arg9[%get3A_316] {strides = array<i32>} : memref<512xi32, #tpu.memory_space<vmem>>, vector<16xi32>,
    %get3A_318 = vector.shape_cast %get3A_317 : vector<16xi32> to vector<16xi32>
    %add3A_319 = vector.broadcast %mul3A_38 : i32 to vector<16xi32>
    %add3A_320 = arith.addi %get3A_318, %add3A_319 : vector<16xi32>
    %swap3A_321 = arith.constant 496 : index
    %swap3A_322 = tpu.vector_load %arg9[%swap3A_321] {strides = array<i32>} : memref<512xi32, #tpu.memory_space<vmem>>, vector<16xi32>,
    %swap3A_323 = vector.shape_cast %swap3A_322 : vector<16xi32> to vector<16xi32>
    %swap3A_324 = vector.shape_cast %add3A_320 : vector<16xi32> to vector<16xi32>
    tpu.vector_store %arg9[%swap3A_321], %swap3A_324 {strides = array<i32>} : memref<512xi32, #tpu.memory_space<vmem>>, vector<16xi32>,
    %dma_start3A = arith.constant 0 : i32
    %dma_start3A_325 = arith.constant 0 : i32
    %dma_start3A_326 = tpu.memref_slice %arg2[%dma_start3A, %dma_start3A_325] : memref<32768x128xf32, #tpu.memory_space<hbm>> -> memref<32768x128xf32, #tpu.memory_space<hbm>>
    tpu.enqueue_indirect_dma source(%dma_start3A_326 : memref<32768x128xf32, #tpu.memory_space<hbm>>) target(%arg10 : memref<512x128xf32, #tpu.memory_space<vmem>>) offsets(%arg9 : memref<512xi32, #tpu.memory_space<vmem>>) semaphore(%arg15 : memref<!tpu.dma_semaphore, #tpu.memory_space<semaphore_mem>>)
    %dma_start3A_327 = arith.constant 0 : i32
    %dma_start3A_328 = arith.constant 0 : i32
    %dma_start3A_329 = tpu.memref_slice %arg5[%dma_start3A_327, %dma_start3A_328] : memref<2048x128xf32, #tpu.memory_space<hbm>> -> memref<2048x128xf32, #tpu.memory_space<hbm>>
    tpu.enqueue_indirect_dma source(%dma_start3A_329 : memref<2048x128xf32, #tpu.memory_space<hbm>>) target(%arg12 : memref<32x128xf32, #tpu.memory_space<vmem>>) offsets(%arg11 : memref<32xi32, #tpu.memory_space<vmem>>) semaphore(%arg16 : memref<!tpu.dma_semaphore, #tpu.memory_space<semaphore_mem>>)
    %dma_start3A_330 = arith.constant 0 : i32
    %dma_start3A_331 = arith.constant 0 : i32
    %dma_start3A_332 = tpu.memref_slice %arg5[%dma_start3A_330, %dma_start3A_331] : memref<2048x128xf32, #tpu.memory_space<hbm>> -> memref<2048x128xf32, #tpu.memory_space<hbm>>
    tpu.enqueue_indirect_dma source(%dma_start3A_332 : memref<2048x128xf32, #tpu.memory_space<hbm>>) target(%arg14 : memref<32x128xf32, #tpu.memory_space<vmem>>) offsets(%arg13 : memref<32xi32, #tpu.memory_space<vmem>>) semaphore(%arg17 : memref<!tpu.dma_semaphore, #tpu.memory_space<semaphore_mem>>)
    %dma_wait3A = arith.constant 0 : i32
    %dma_wait3A_333 = arith.constant 0 : i32
    %dma_wait3A_334 = tpu.memref_slice %arg5[%dma_wait3A, %dma_wait3A_333] : memref<2048x128xf32, #tpu.memory_space<hbm>> -> memref<2048x128xf32, #tpu.memory_space<hbm>>
    tpu.wait_indirect_dma semaphore(%arg16 : memref<!tpu.dma_semaphore, #tpu.memory_space<semaphore_mem>>) src(%dma_wait3A_334 : memref<2048x128xf32, #tpu.memory_space<hbm>>) dst(%arg12 : memref<32x128xf32, #tpu.memory_space<vmem>>)
    %mul3A_335 = arith.constant 32 : i32
    %mul3A_336 = arith.muli %add3A, %mul3A_335 : i32
    "tpu.region"() ({
      %run_scoped3A = tpu.sem_alloc : memref<!tpu.dma_semaphore, #tpu.memory_space<semaphore_mem>>
      %dma_start3A_350 = arith.constant 0 : i32
      %dma_start3A_351 = tpu.memref_slice %arg7[%mul3A_336, %dma_start3A_350] : memref<1024x128xf32, #tpu.memory_space<hbm>> -> memref<32x128xf32, #tpu.memory_space<hbm>>
      %dma_start3A_352 = arith.constant 0 : i32
      %dma_start3A_353 = tpu.memref_slice %arg7[%mul3A_336, %dma_start3A_352] : memref<1024x128xf32, #tpu.memory_space<hbm>> -> memref<32x128xf32, #tpu.memory_space<hbm>>
      tpu.enqueue_dma source(%arg12 : memref<32x128xf32, #tpu.memory_space<vmem>>) target(%dma_start3A_353 : memref<32x128xf32, #tpu.memory_space<hbm>>) target_semaphore(%run_scoped3A : memref<!tpu.dma_semaphore, #tpu.memory_space<semaphore_mem>>)
      %dma_wait3A_354 = arith.constant 0 : i32
      %dma_wait3A_355 = tpu.memref_slice %arg7[%mul3A_336, %dma_wait3A_354] : memref<1024x128xf32, #tpu.memory_space<hbm>> -> memref<32x128xf32, #tpu.memory_space<hbm>>
      %dma_wait3A_356 = arith.constant 0 : i32
      %dma_wait3A_357 = tpu.memref_slice %arg7[%mul3A_336, %dma_wait3A_356] : memref<1024x128xf32, #tpu.memory_space<hbm>> -> memref<32x128xf32, #tpu.memory_space<hbm>>
      tpu.wait_dma2 semaphore(%run_scoped3A : memref<!tpu.dma_semaphore, #tpu.memory_space<semaphore_mem>>) src(%arg12 : memref<32x128xf32, #tpu.memory_space<vmem>>) dst(%dma_wait3A_357 : memref<32x128xf32, #tpu.memory_space<hbm>>)
      tpu.yield
    }) : () -> ()
    %dma_wait3A_337 = arith.constant 0 : i32
    %dma_wait3A_338 = arith.constant 0 : i32
    %dma_wait3A_339 = tpu.memref_slice %arg5[%dma_wait3A_337, %dma_wait3A_338] : memref<2048x128xf32, #tpu.memory_space<hbm>> -> memref<2048x128xf32, #tpu.memory_space<hbm>>
    tpu.wait_indirect_dma semaphore(%arg17 : memref<!tpu.dma_semaphore, #tpu.memory_space<semaphore_mem>>) src(%dma_wait3A_339 : memref<2048x128xf32, #tpu.memory_space<hbm>>) dst(%arg14 : memref<32x128xf32, #tpu.memory_space<vmem>>)
    %mul3A_340 = arith.constant 32 : i32
    %mul3A_341 = arith.muli %add3A, %mul3A_340 : i32
    "tpu.region"() ({
      %run_scoped3A = tpu.sem_alloc : memref<!tpu.dma_semaphore, #tpu.memory_space<semaphore_mem>>
      %dma_start3A_350 = arith.constant 0 : i32
      %dma_start3A_351 = tpu.memref_slice %arg8[%mul3A_341, %dma_start3A_350] : memref<1024x128xf32, #tpu.memory_space<hbm>> -> memref<32x128xf32, #tpu.memory_space<hbm>>
      %dma_start3A_352 = arith.constant 0 : i32
      %dma_start3A_353 = tpu.memref_slice %arg8[%mul3A_341, %dma_start3A_352] : memref<1024x128xf32, #tpu.memory_space<hbm>> -> memref<32x128xf32, #tpu.memory_space<hbm>>
      tpu.enqueue_dma source(%arg14 : memref<32x128xf32, #tpu.memory_space<vmem>>) target(%dma_start3A_353 : memref<32x128xf32, #tpu.memory_space<hbm>>) target_semaphore(%run_scoped3A : memref<!tpu.dma_semaphore, #tpu.memory_space<semaphore_mem>>)
      %dma_wait3A_354 = arith.constant 0 : i32
      %dma_wait3A_355 = tpu.memref_slice %arg8[%mul3A_341, %dma_wait3A_354] : memref<1024x128xf32, #tpu.memory_space<hbm>> -> memref<32x128xf32, #tpu.memory_space<hbm>>
      %dma_wait3A_356 = arith.constant 0 : i32
      %dma_wait3A_357 = tpu.memref_slice %arg8[%mul3A_341, %dma_wait3A_356] : memref<1024x128xf32, #tpu.memory_space<hbm>> -> memref<32x128xf32, #tpu.memory_space<hbm>>
      tpu.wait_dma2 semaphore(%run_scoped3A : memref<!tpu.dma_semaphore, #tpu.memory_space<semaphore_mem>>) src(%arg14 : memref<32x128xf32, #tpu.memory_space<vmem>>) dst(%dma_wait3A_357 : memref<32x128xf32, #tpu.memory_space<hbm>>)
      tpu.yield
    }) : () -> ()
    %dma_wait3A_342 = arith.constant 0 : i32
    %dma_wait3A_343 = arith.constant 0 : i32
    %dma_wait3A_344 = tpu.memref_slice %arg2[%dma_wait3A_342, %dma_wait3A_343] : memref<32768x128xf32, #tpu.memory_space<hbm>> -> memref<32768x128xf32, #tpu.memory_space<hbm>>
    tpu.wait_indirect_dma semaphore(%arg15 : memref<!tpu.dma_semaphore, #tpu.memory_space<semaphore_mem>>) src(%dma_wait3A_344 : memref<32768x128xf32, #tpu.memory_space<hbm>>) dst(%arg10 : memref<512x128xf32, #tpu.memory_space<vmem>>)
    %mul3A_345 = arith.constant 1024 : i32
    %mul3A_346 = arith.muli %select_n3A, %mul3A_345 : i32
    %mul3A_347 = arith.constant 512 : i32
    %mul3A_348 = arith.muli %select_n3A_30, %mul3A_347 : i32
    %add3A_349 = arith.addi %mul3A_346, %mul3A_348 : i32
    "tpu.region"() ({
      %run_scoped3A = tpu.sem_alloc : memref<!tpu.dma_semaphore, #tpu.memory_space<semaphore_mem>>
      %dma_start3A_350 = arith.constant 0 : i32
      %dma_start3A_351 = tpu.memref_slice %arg6[%add3A_349, %dma_start3A_350] : memref<16384x128xf32, #tpu.memory_space<hbm>> -> memref<512x128xf32, #tpu.memory_space<hbm>>
      %dma_start3A_352 = arith.constant 0 : i32
      %dma_start3A_353 = tpu.memref_slice %arg6[%add3A_349, %dma_start3A_352] : memref<16384x128xf32, #tpu.memory_space<hbm>> -> memref<512x128xf32, #tpu.memory_space<hbm>>
      tpu.enqueue_dma source(%arg10 : memref<512x128xf32, #tpu.memory_space<vmem>>) target(%dma_start3A_353 : memref<512x128xf32, #tpu.memory_space<hbm>>) target_semaphore(%run_scoped3A : memref<!tpu.dma_semaphore, #tpu.memory_space<semaphore_mem>>)
      %dma_wait3A_354 = arith.constant 0 : i32
      %dma_wait3A_355 = tpu.memref_slice %arg6[%add3A_349, %dma_wait3A_354] : memref<16384x128xf32, #tpu.memory_space<hbm>> -> memref<512x128xf32, #tpu.memory_space<hbm>>
      %dma_wait3A_356 = arith.constant 0 : i32
      %dma_wait3A_357 = tpu.memref_slice %arg6[%add3A_349, %dma_wait3A_356] : memref<16384x128xf32, #tpu.memory_space<hbm>> -> memref<512x128xf32, #tpu.memory_space<hbm>>
      tpu.wait_dma2 semaphore(%run_scoped3A : memref<!tpu.dma_semaphore, #tpu.memory_space<semaphore_mem>>) src(%arg10 : memref<512x128xf32, #tpu.memory_space<vmem>>) dst(%dma_wait3A_357 : memref<512x128xf32, #tpu.memory_space<hbm>>)
      tpu.yield
    }) : () -> ()
    return
  }
}

module attributes {stable_mosaic.version = 14 : i64} {
  func.func @_attn_body(%arg0: i32, %arg1: memref<1x1024x128xf32, #tpu.memory_space<vmem>>, %arg2: memref<1024x128xf32, #tpu.memory_space<vmem>>, %arg3: memref<1024x128xf32, #tpu.memory_space<vmem>>, %arg4: memref<128x128xf32, #tpu.memory_space<vmem>>, %arg5: memref<128x128xf32, #tpu.memory_space<vmem>>, %arg6: memref<128x128xf32, #tpu.memory_space<vmem>>, %arg7: memref<128x128xf32, #tpu.memory_space<vmem>>, %arg8: memref<128x44xf32, #tpu.memory_space<vmem>>, %arg9: memref<1x1024x44xf32, #tpu.memory_space<vmem>>, %arg10: memref<8x1024x128xbf16, #tpu.memory_space<vmem>>, %arg11: memref<128x256xbf16, #tpu.memory_space<vmem>>) attributes {dimension_semantics = [#tpu.dimension_semantics<arbitrary>], iteration_bounds = array<i64: 16>, scalar_prefetch = 0 : i64, scratch_operands = 2 : i64, tpu.core_type = #tpu.core_type<tc>, window_params = [{transform_indices = @transform_0, window_bounds = array<i64: 1, 1024, 128>}, {pipeline_mode = #tpu.pipeline_mode<synchronous>, transform_indices = @transform_1, window_bounds = array<i64: 1024, 128>}, {pipeline_mode = #tpu.pipeline_mode<synchronous>, transform_indices = @transform_2, window_bounds = array<i64: 1024, 128>}, {pipeline_mode = #tpu.pipeline_mode<synchronous>, transform_indices = @transform_3, window_bounds = array<i64: 128, 128>}, {pipeline_mode = #tpu.pipeline_mode<synchronous>, transform_indices = @transform_4, window_bounds = array<i64: 128, 128>}, {pipeline_mode = #tpu.pipeline_mode<synchronous>, transform_indices = @transform_5, window_bounds = array<i64: 128, 128>}, {pipeline_mode = #tpu.pipeline_mode<synchronous>, transform_indices = @transform_6, window_bounds = array<i64: 128, 128>}, {pipeline_mode = #tpu.pipeline_mode<synchronous>, transform_indices = @transform_7, window_bounds = array<i64: 128, 44>}, {transform_indices = @transform_8, window_bounds = array<i64: 1, 1024, 44>}]} {
    %eq3A = arith.constant 0 : i32
    %eq3A_0 = arith.cmpi eq, %arg0, %eq3A : i32
    %convert_element_type3A = arith.extui %eq3A_0 : i1 to i32
    %cond3A = arith.constant 0 : i32
    %cond3A_1 = arith.cmpi ne, %convert_element_type3A, %cond3A : i32
    scf.if %cond3A_1 {
      %get3A_191 = arith.constant 0 : index
      %get3A_192 = arith.constant 0 : index
      %get3A_193 = vector.load %arg3[%get3A_191, %get3A_192] : memref<1024x128xf32, #tpu.memory_space<vmem>>, vector<1024x128xf32>
      %convert_element_type3A_194 = arith.truncf %get3A_193 : vector<1024x128xf32> to vector<1024x128xbf16>
      %get3A_195 = arith.constant 0 : index
      %get3A_196 = arith.constant 0 : index
      %get3A_197 = vector.load %arg5[%get3A_195, %get3A_196] : memref<128x128xf32, #tpu.memory_space<vmem>>, vector<128x128xf32>
      %mul3A = arith.constant 0.360673755 : f32
      %mul3A_198 = vector.broadcast %mul3A : f32 to vector<128x128xf32>
      %mul3A_199 = arith.mulf %get3A_197, %mul3A_198 : vector<128x128xf32>
      %convert_element_type3A_200 = arith.truncf %mul3A_199 : vector<128x128xf32> to vector<128x128xbf16>
      %dot_general3A_201 = arith.constant dense<0.000000e+00> : vector<1024x128xf32>
      %dot_general3A_202 = tpu.matmul %convert_element_type3A_194, %convert_element_type3A_200, %dot_general3A_201 {dimension_numbers = #tpu.dot_dimension_numbers<[1], [0], [0], [1], [0, 0, 1, 1], [], []>, transpose_lhs_hint = false} : vector<1024x128xbf16>, vector<128x128xbf16>, vector<1024x128xf32> -> vector<1024x128xf32>
      %convert_element_type3A_203 = arith.truncf %dot_general3A_202 : vector<1024x128xf32> to vector<1024x128xbf16>
      %get3A_204 = arith.constant 0 : index
      %get3A_205 = arith.constant 0 : index
      %get3A_206 = vector.load %arg6[%get3A_204, %get3A_205] : memref<128x128xf32, #tpu.memory_space<vmem>>, vector<128x128xf32>
      %convert_element_type3A_207 = arith.truncf %get3A_206 : vector<128x128xf32> to vector<128x128xbf16>
      %slice3A_208 = vector.extract_strided_slice %convert_element_type3A_203 {offsets = [0, 0], sizes = [1024, 16], strides = [1, 1]} : vector<1024x128xbf16> to vector<1024x16xbf16>
      %slice3A_209 = vector.extract_strided_slice %convert_element_type3A_207 {offsets = [0, 0], sizes = [128, 16], strides = [1, 1]} : vector<128x128xbf16> to vector<128x16xbf16>
      %dot_general3A_210 = arith.constant dense<0.000000e+00> : vector<1024x128xf32>
      %dot_general3A_211 = tpu.matmul %slice3A_208, %slice3A_209, %dot_general3A_210 {dimension_numbers = #tpu.dot_dimension_numbers<[1], [1], [0], [0], [0, 0, 1, 0], [], []>, transpose_lhs_hint = false} : vector<1024x16xbf16>, vector<128x16xbf16>, vector<1024x128xf32> -> vector<1024x128xf32>
      %convert_element_type3A_212 = arith.truncf %dot_general3A_211 : vector<1024x128xf32> to vector<1024x128xbf16>
      %swap3A_213 = arith.constant 0 : index
      %swap3A_214 = arith.constant 0 : index
      %swap3A_215 = arith.constant 0 : index
      %swap3A_216 = vector.load %arg10[%swap3A_213, %swap3A_214, %swap3A_215] : memref<8x1024x128xbf16, #tpu.memory_space<vmem>>, vector<1x1024x128xbf16>
      %swap3A_217 = vector.shape_cast %swap3A_216 : vector<1x1024x128xbf16> to vector<1024x128xbf16>
      %swap3A_218 = vector.shape_cast %convert_element_type3A_212 : vector<1024x128xbf16> to vector<1x1024x128xbf16>
      tpu.vector_store %arg10[%swap3A_213, %swap3A_214, %swap3A_215], %swap3A_218 {strides = array<i32>} : memref<8x1024x128xbf16, #tpu.memory_space<vmem>>, vector<1x1024x128xbf16>,
      %slice3A_219 = vector.extract_strided_slice %convert_element_type3A_203 {offsets = [0, 16], sizes = [1024, 16], strides = [1, 1]} : vector<1024x128xbf16> to vector<1024x16xbf16>
      %slice3A_220 = vector.extract_strided_slice %convert_element_type3A_207 {offsets = [0, 16], sizes = [128, 16], strides = [1, 1]} : vector<128x128xbf16> to vector<128x16xbf16>
      %dot_general3A_221 = arith.constant dense<0.000000e+00> : vector<1024x128xf32>
      %dot_general3A_222 = tpu.matmul %slice3A_219, %slice3A_220, %dot_general3A_221 {dimension_numbers = #tpu.dot_dimension_numbers<[1], [1], [0], [0], [0, 0, 1, 0], [], []>, transpose_lhs_hint = false} : vector<1024x16xbf16>, vector<128x16xbf16>, vector<1024x128xf32> -> vector<1024x128xf32>
      %convert_element_type3A_223 = arith.truncf %dot_general3A_222 : vector<1024x128xf32> to vector<1024x128xbf16>
      %swap3A_224 = arith.constant 1 : index
      %swap3A_225 = arith.constant 0 : index
      %swap3A_226 = arith.constant 0 : index
      %swap3A_227 = vector.load %arg10[%swap3A_224, %swap3A_225, %swap3A_226] : memref<8x1024x128xbf16, #tpu.memory_space<vmem>>, vector<1x1024x128xbf16>
      %swap3A_228 = vector.shape_cast %swap3A_227 : vector<1x1024x128xbf16> to vector<1024x128xbf16>
      %swap3A_229 = vector.shape_cast %convert_element_type3A_223 : vector<1024x128xbf16> to vector<1x1024x128xbf16>
      tpu.vector_store %arg10[%swap3A_224, %swap3A_225, %swap3A_226], %swap3A_229 {strides = array<i32>} : memref<8x1024x128xbf16, #tpu.memory_space<vmem>>, vector<1x1024x128xbf16>,
      %slice3A_230 = vector.extract_strided_slice %convert_element_type3A_203 {offsets = [0, 32], sizes = [1024, 16], strides = [1, 1]} : vector<1024x128xbf16> to vector<1024x16xbf16>
      %slice3A_231 = vector.extract_strided_slice %convert_element_type3A_207 {offsets = [0, 32], sizes = [128, 16], strides = [1, 1]} : vector<128x128xbf16> to vector<128x16xbf16>
      %dot_general3A_232 = arith.constant dense<0.000000e+00> : vector<1024x128xf32>
      %dot_general3A_233 = tpu.matmul %slice3A_230, %slice3A_231, %dot_general3A_232 {dimension_numbers = #tpu.dot_dimension_numbers<[1], [1], [0], [0], [0, 0, 1, 0], [], []>, transpose_lhs_hint = false} : vector<1024x16xbf16>, vector<128x16xbf16>, vector<1024x128xf32> -> vector<1024x128xf32>
      %convert_element_type3A_234 = arith.truncf %dot_general3A_233 : vector<1024x128xf32> to vector<1024x128xbf16>
      %swap3A_235 = arith.constant 2 : index
      %swap3A_236 = arith.constant 0 : index
      %swap3A_237 = arith.constant 0 : index
      %swap3A_238 = vector.load %arg10[%swap3A_235, %swap3A_236, %swap3A_237] : memref<8x1024x128xbf16, #tpu.memory_space<vmem>>, vector<1x1024x128xbf16>
      %swap3A_239 = vector.shape_cast %swap3A_238 : vector<1x1024x128xbf16> to vector<1024x128xbf16>
      %swap3A_240 = vector.shape_cast %convert_element_type3A_234 : vector<1024x128xbf16> to vector<1x1024x128xbf16>
      tpu.vector_store %arg10[%swap3A_235, %swap3A_236, %swap3A_237], %swap3A_240 {strides = array<i32>} : memref<8x1024x128xbf16, #tpu.memory_space<vmem>>, vector<1x1024x128xbf16>,
      %slice3A_241 = vector.extract_strided_slice %convert_element_type3A_203 {offsets = [0, 48], sizes = [1024, 16], strides = [1, 1]} : vector<1024x128xbf16> to vector<1024x16xbf16>
      %slice3A_242 = vector.extract_strided_slice %convert_element_type3A_207 {offsets = [0, 48], sizes = [128, 16], strides = [1, 1]} : vector<128x128xbf16> to vector<128x16xbf16>
      %dot_general3A_243 = arith.constant dense<0.000000e+00> : vector<1024x128xf32>
      %dot_general3A_244 = tpu.matmul %slice3A_241, %slice3A_242, %dot_general3A_243 {dimension_numbers = #tpu.dot_dimension_numbers<[1], [1], [0], [0], [0, 0, 1, 0], [], []>, transpose_lhs_hint = false} : vector<1024x16xbf16>, vector<128x16xbf16>, vector<1024x128xf32> -> vector<1024x128xf32>
      %convert_element_type3A_245 = arith.truncf %dot_general3A_244 : vector<1024x128xf32> to vector<1024x128xbf16>
      %swap3A_246 = arith.constant 3 : index
      %swap3A_247 = arith.constant 0 : index
      %swap3A_248 = arith.constant 0 : index
      %swap3A_249 = vector.load %arg10[%swap3A_246, %swap3A_247, %swap3A_248] : memref<8x1024x128xbf16, #tpu.memory_space<vmem>>, vector<1x1024x128xbf16>
      %swap3A_250 = vector.shape_cast %swap3A_249 : vector<1x1024x128xbf16> to vector<1024x128xbf16>
      %swap3A_251 = vector.shape_cast %convert_element_type3A_245 : vector<1024x128xbf16> to vector<1x1024x128xbf16>
      tpu.vector_store %arg10[%swap3A_246, %swap3A_247, %swap3A_248], %swap3A_251 {strides = array<i32>} : memref<8x1024x128xbf16, #tpu.memory_space<vmem>>, vector<1x1024x128xbf16>,
      %slice3A_252 = vector.extract_strided_slice %convert_element_type3A_203 {offsets = [0, 64], sizes = [1024, 16], strides = [1, 1]} : vector<1024x128xbf16> to vector<1024x16xbf16>
      %slice3A_253 = vector.extract_strided_slice %convert_element_type3A_207 {offsets = [0, 64], sizes = [128, 16], strides = [1, 1]} : vector<128x128xbf16> to vector<128x16xbf16>
      %dot_general3A_254 = arith.constant dense<0.000000e+00> : vector<1024x128xf32>
      %dot_general3A_255 = tpu.matmul %slice3A_252, %slice3A_253, %dot_general3A_254 {dimension_numbers = #tpu.dot_dimension_numbers<[1], [1], [0], [0], [0, 0, 1, 0], [], []>, transpose_lhs_hint = false} : vector<1024x16xbf16>, vector<128x16xbf16>, vector<1024x128xf32> -> vector<1024x128xf32>
      %convert_element_type3A_256 = arith.truncf %dot_general3A_255 : vector<1024x128xf32> to vector<1024x128xbf16>
      %swap3A_257 = arith.constant 4 : index
      %swap3A_258 = arith.constant 0 : index
      %swap3A_259 = arith.constant 0 : index
      %swap3A_260 = vector.load %arg10[%swap3A_257, %swap3A_258, %swap3A_259] : memref<8x1024x128xbf16, #tpu.memory_space<vmem>>, vector<1x1024x128xbf16>
      %swap3A_261 = vector.shape_cast %swap3A_260 : vector<1x1024x128xbf16> to vector<1024x128xbf16>
      %swap3A_262 = vector.shape_cast %convert_element_type3A_256 : vector<1024x128xbf16> to vector<1x1024x128xbf16>
      tpu.vector_store %arg10[%swap3A_257, %swap3A_258, %swap3A_259], %swap3A_262 {strides = array<i32>} : memref<8x1024x128xbf16, #tpu.memory_space<vmem>>, vector<1x1024x128xbf16>,
      %slice3A_263 = vector.extract_strided_slice %convert_element_type3A_203 {offsets = [0, 80], sizes = [1024, 16], strides = [1, 1]} : vector<1024x128xbf16> to vector<1024x16xbf16>
      %slice3A_264 = vector.extract_strided_slice %convert_element_type3A_207 {offsets = [0, 80], sizes = [128, 16], strides = [1, 1]} : vector<128x128xbf16> to vector<128x16xbf16>
      %dot_general3A_265 = arith.constant dense<0.000000e+00> : vector<1024x128xf32>
      %dot_general3A_266 = tpu.matmul %slice3A_263, %slice3A_264, %dot_general3A_265 {dimension_numbers = #tpu.dot_dimension_numbers<[1], [1], [0], [0], [0, 0, 1, 0], [], []>, transpose_lhs_hint = false} : vector<1024x16xbf16>, vector<128x16xbf16>, vector<1024x128xf32> -> vector<1024x128xf32>
      %convert_element_type3A_267 = arith.truncf %dot_general3A_266 : vector<1024x128xf32> to vector<1024x128xbf16>
      %swap3A_268 = arith.constant 5 : index
      %swap3A_269 = arith.constant 0 : index
      %swap3A_270 = arith.constant 0 : index
      %swap3A_271 = vector.load %arg10[%swap3A_268, %swap3A_269, %swap3A_270] : memref<8x1024x128xbf16, #tpu.memory_space<vmem>>, vector<1x1024x128xbf16>
      %swap3A_272 = vector.shape_cast %swap3A_271 : vector<1x1024x128xbf16> to vector<1024x128xbf16>
      %swap3A_273 = vector.shape_cast %convert_element_type3A_267 : vector<1024x128xbf16> to vector<1x1024x128xbf16>
      tpu.vector_store %arg10[%swap3A_268, %swap3A_269, %swap3A_270], %swap3A_273 {strides = array<i32>} : memref<8x1024x128xbf16, #tpu.memory_space<vmem>>, vector<1x1024x128xbf16>,
      %slice3A_274 = vector.extract_strided_slice %convert_element_type3A_203 {offsets = [0, 96], sizes = [1024, 16], strides = [1, 1]} : vector<1024x128xbf16> to vector<1024x16xbf16>
      %slice3A_275 = vector.extract_strided_slice %convert_element_type3A_207 {offsets = [0, 96], sizes = [128, 16], strides = [1, 1]} : vector<128x128xbf16> to vector<128x16xbf16>
      %dot_general3A_276 = arith.constant dense<0.000000e+00> : vector<1024x128xf32>
      %dot_general3A_277 = tpu.matmul %slice3A_274, %slice3A_275, %dot_general3A_276 {dimension_numbers = #tpu.dot_dimension_numbers<[1], [1], [0], [0], [0, 0, 1, 0], [], []>, transpose_lhs_hint = false} : vector<1024x16xbf16>, vector<128x16xbf16>, vector<1024x128xf32> -> vector<1024x128xf32>
      %convert_element_type3A_278 = arith.truncf %dot_general3A_277 : vector<1024x128xf32> to vector<1024x128xbf16>
      %swap3A_279 = arith.constant 6 : index
      %swap3A_280 = arith.constant 0 : index
      %swap3A_281 = arith.constant 0 : index
      %swap3A_282 = vector.load %arg10[%swap3A_279, %swap3A_280, %swap3A_281] : memref<8x1024x128xbf16, #tpu.memory_space<vmem>>, vector<1x1024x128xbf16>
      %swap3A_283 = vector.shape_cast %swap3A_282 : vector<1x1024x128xbf16> to vector<1024x128xbf16>
      %swap3A_284 = vector.shape_cast %convert_element_type3A_278 : vector<1024x128xbf16> to vector<1x1024x128xbf16>
      tpu.vector_store %arg10[%swap3A_279, %swap3A_280, %swap3A_281], %swap3A_284 {strides = array<i32>} : memref<8x1024x128xbf16, #tpu.memory_space<vmem>>, vector<1x1024x128xbf16>,
      %slice3A_285 = vector.extract_strided_slice %convert_element_type3A_203 {offsets = [0, 112], sizes = [1024, 16], strides = [1, 1]} : vector<1024x128xbf16> to vector<1024x16xbf16>
      %slice3A_286 = vector.extract_strided_slice %convert_element_type3A_207 {offsets = [0, 112], sizes = [128, 16], strides = [1, 1]} : vector<128x128xbf16> to vector<128x16xbf16>
      %dot_general3A_287 = arith.constant dense<0.000000e+00> : vector<1024x128xf32>
      %dot_general3A_288 = tpu.matmul %slice3A_285, %slice3A_286, %dot_general3A_287 {dimension_numbers = #tpu.dot_dimension_numbers<[1], [1], [0], [0], [0, 0, 1, 0], [], []>, transpose_lhs_hint = false} : vector<1024x16xbf16>, vector<128x16xbf16>, vector<1024x128xf32> -> vector<1024x128xf32>
      %convert_element_type3A_289 = arith.truncf %dot_general3A_288 : vector<1024x128xf32> to vector<1024x128xbf16>
      %swap3A_290 = arith.constant 7 : index
      %swap3A_291 = arith.constant 0 : index
      %swap3A_292 = arith.constant 0 : index
      %swap3A_293 = vector.load %arg10[%swap3A_290, %swap3A_291, %swap3A_292] : memref<8x1024x128xbf16, #tpu.memory_space<vmem>>, vector<1x1024x128xbf16>
      %swap3A_294 = vector.shape_cast %swap3A_293 : vector<1x1024x128xbf16> to vector<1024x128xbf16>
      %swap3A_295 = vector.shape_cast %convert_element_type3A_289 : vector<1024x128xbf16> to vector<1x1024x128xbf16>
      tpu.vector_store %arg10[%swap3A_290, %swap3A_291, %swap3A_292], %swap3A_295 {strides = array<i32>} : memref<8x1024x128xbf16, #tpu.memory_space<vmem>>, vector<1x1024x128xbf16>,
      %get3A_296 = arith.constant 0 : index
      %get3A_297 = arith.constant 0 : index
      %get3A_298 = vector.load %arg7[%get3A_296, %get3A_297] : memref<128x128xf32, #tpu.memory_space<vmem>>, vector<128x128xf32>
      %convert_element_type3A_299 = arith.truncf %get3A_298 : vector<128x128xf32> to vector<128x128xbf16>
      %slice3A_300 = vector.extract_strided_slice %convert_element_type3A_299 {offsets = [0, 0], sizes = [128, 16], strides = [1, 1]} : vector<128x128xbf16> to vector<128x16xbf16>
      %broadcast_in_dim3A_301 = arith.constant 0.000000e+00 : bf16
      %broadcast_in_dim3A_302 = vector.broadcast %broadcast_in_dim3A_301 : bf16 to vector<128x16xbf16>
      %slice3A_303 = vector.extract_strided_slice %convert_element_type3A_299 {offsets = [0, 16], sizes = [128, 16], strides = [1, 1]} : vector<128x128xbf16> to vector<128x16xbf16>
      %broadcast_in_dim3A_304 = arith.constant 0.000000e+00 : bf16
      %broadcast_in_dim3A_305 = vector.broadcast %broadcast_in_dim3A_304 : bf16 to vector<128x16xbf16>
      %slice3A_306 = vector.extract_strided_slice %convert_element_type3A_299 {offsets = [0, 32], sizes = [128, 16], strides = [1, 1]} : vector<128x128xbf16> to vector<128x16xbf16>
      %broadcast_in_dim3A_307 = arith.constant 0.000000e+00 : bf16
      %broadcast_in_dim3A_308 = vector.broadcast %broadcast_in_dim3A_307 : bf16 to vector<128x16xbf16>
      %slice3A_309 = vector.extract_strided_slice %convert_element_type3A_299 {offsets = [0, 48], sizes = [128, 16], strides = [1, 1]} : vector<128x128xbf16> to vector<128x16xbf16>
      %broadcast_in_dim3A_310 = arith.constant 0.000000e+00 : bf16
      %broadcast_in_dim3A_311 = vector.broadcast %broadcast_in_dim3A_310 : bf16 to vector<128x16xbf16>
      %slice3A_312 = vector.extract_strided_slice %convert_element_type3A_299 {offsets = [0, 64], sizes = [128, 16], strides = [1, 1]} : vector<128x128xbf16> to vector<128x16xbf16>
      %broadcast_in_dim3A_313 = arith.constant 0.000000e+00 : bf16
      %broadcast_in_dim3A_314 = vector.broadcast %broadcast_in_dim3A_313 : bf16 to vector<128x16xbf16>
      %slice3A_315 = vector.extract_strided_slice %convert_element_type3A_299 {offsets = [0, 80], sizes = [128, 16], strides = [1, 1]} : vector<128x128xbf16> to vector<128x16xbf16>
      %broadcast_in_dim3A_316 = arith.constant 0.000000e+00 : bf16
      %broadcast_in_dim3A_317 = vector.broadcast %broadcast_in_dim3A_316 : bf16 to vector<128x16xbf16>
      %slice3A_318 = vector.extract_strided_slice %convert_element_type3A_299 {offsets = [0, 96], sizes = [128, 16], strides = [1, 1]} : vector<128x128xbf16> to vector<128x16xbf16>
      %broadcast_in_dim3A_319 = arith.constant 0.000000e+00 : bf16
      %broadcast_in_dim3A_320 = vector.broadcast %broadcast_in_dim3A_319 : bf16 to vector<128x16xbf16>
      %slice3A_321 = vector.extract_strided_slice %convert_element_type3A_299 {offsets = [0, 112], sizes = [128, 16], strides = [1, 1]} : vector<128x128xbf16> to vector<128x16xbf16>
      %broadcast_in_dim3A_322 = arith.constant 0.000000e+00 : bf16
      %broadcast_in_dim3A_323 = vector.broadcast %broadcast_in_dim3A_322 : bf16 to vector<128x16xbf16>
      %concatenate3A_324 = tpu.concatenate %slice3A_300, %broadcast_in_dim3A_302, %slice3A_303, %broadcast_in_dim3A_305, %slice3A_306, %broadcast_in_dim3A_308, %slice3A_309, %broadcast_in_dim3A_311, %slice3A_312, %broadcast_in_dim3A_314, %slice3A_315, %broadcast_in_dim3A_317, %slice3A_318, %broadcast_in_dim3A_320, %slice3A_321, %broadcast_in_dim3A_323 in 1 : vector<128x16xbf16>, vector<128x16xbf16>, vector<128x16xbf16>, vector<128x16xbf16>, vector<128x16xbf16>, vector<128x16xbf16>, vector<128x16xbf16>, vector<128x16xbf16>, vector<128x16xbf16>, vector<128x16xbf16>, vector<128x16xbf16>, vector<128x16xbf16>, vector<128x16xbf16>, vector<128x16xbf16>, vector<128x16xbf16>, vector<128x16xbf16> -> vector<128x256xbf16>
      %swap3A_325 = arith.constant 0 : index
      %swap3A_326 = arith.constant 0 : index
      %swap3A_327 = vector.load %arg11[%swap3A_325, %swap3A_326] : memref<128x256xbf16, #tpu.memory_space<vmem>>, vector<128x256xbf16>
      tpu.vector_store %arg11[%swap3A_325, %swap3A_326], %concatenate3A_324 {strides = array<i32>} : memref<128x256xbf16, #tpu.memory_space<vmem>>, vector<128x256xbf16>,
    } else {
    }
    %get3A = arith.constant 0 : index
    %get3A_2 = arith.constant 0 : index
    %get3A_3 = arith.constant 0 : index
    %get3A_4 = vector.load %arg1[%get3A, %get3A_2, %get3A_3] : memref<1x1024x128xf32, #tpu.memory_space<vmem>>, vector<1x1024x128xf32>
    %get3A_5 = vector.shape_cast %get3A_4 : vector<1x1024x128xf32> to vector<1024x128xf32>
    %convert_element_type3A_6 = arith.truncf %get3A_5 : vector<1024x128xf32> to vector<1024x128xbf16>
    %get3A_7 = arith.constant 0 : index
    %get3A_8 = arith.constant 0 : index
    %get3A_9 = vector.load %arg4[%get3A_7, %get3A_8] : memref<128x128xf32, #tpu.memory_space<vmem>>, vector<128x128xf32>
    %convert_element_type3A_10 = arith.truncf %get3A_9 : vector<128x128xf32> to vector<128x128xbf16>
    %dot_general3A = arith.constant dense<0.000000e+00> : vector<1024x128xf32>
    %dot_general3A_11 = tpu.matmul %convert_element_type3A_6, %convert_element_type3A_10, %dot_general3A {dimension_numbers = #tpu.dot_dimension_numbers<[1], [0], [0], [1], [0, 0, 1, 1], [], []>, transpose_lhs_hint = false} : vector<1024x128xbf16>, vector<128x128xbf16>, vector<1024x128xf32> -> vector<1024x128xf32>
    %get3A_12 = arith.constant 0 : index
    %get3A_13 = arith.constant 0 : index
    %get3A_14 = vector.load %arg2[%get3A_12, %get3A_13] : memref<1024x128xf32, #tpu.memory_space<vmem>>, vector<1024x128xf32>
    %add3A = arith.addf %dot_general3A_11, %get3A_14 : vector<1024x128xf32>
    %convert_element_type3A_15 = arith.truncf %add3A : vector<1024x128xf32> to vector<1024x128xbf16>
    %transpose3A = tpu.transpose %convert_element_type3A_15, [1, 0] : vector<1024x128xbf16> -> vector<128x1024xbf16>
    %iota3A = tpu.iota {dimensions = array<i32: 1>} : vector<1x256xi32>
    %jit3A = arith.constant 32 : i32
    %eq3A_16 = arith.constant 0 : i32
    %eq3A_17 = arith.cmpi eq, %jit3A, %eq3A_16 : i32
    %jit3A_18 = arith.constant 1 : i32
    %select_n3A = arith.select %eq3A_17, %jit3A_18, %jit3A : i32
    %rem3A = vector.broadcast %select_n3A : i32 to vector<1x256xi32>
    %rem3A_19 = arith.remsi %iota3A, %rem3A : vector<1x256xi32>
    %ne3A = arith.constant 0 : i32
    %ne3A_20 = vector.broadcast %ne3A : i32 to vector<1x256xi32>
    %ne3A_21 = arith.cmpi ne, %rem3A_19, %ne3A_20 : vector<1x256xi32>
    %lt3A = arith.constant 0 : i32
    %lt3A_22 = vector.broadcast %lt3A : i32 to vector<1x256xi32>
    %lt3A_23 = arith.cmpi slt, %rem3A_19, %lt3A_22 : vector<1x256xi32>
    %lt3A_24 = arith.constant 0 : i32
    %lt3A_25 = arith.cmpi slt, %select_n3A, %lt3A_24 : i32
    %ne3A_26 = vector.broadcast %lt3A_25 : i1 to vector<1x256xi1>
    %ne3A_27 = vector.broadcast %ne3A_26 : vector<1x256xi1> to vector<1x256xi1>
    %ne3A_28 = arith.xori %lt3A_23, %ne3A_27 : vector<1x256xi1>
    %and3A = arith.andi %ne3A_28, %ne3A_21 : vector<1x256xi1>
    %add3A_29 = vector.broadcast %select_n3A : i32 to vector<1x256xi32>
    %add3A_30 = arith.addi %rem3A_19, %add3A_29 : vector<1x256xi32>
    %select_n3A_31 = arith.select %and3A, %add3A_30, %rem3A_19 : vector<1x256xi1>, vector<1x256xi32>
    %eq3A_32 = arith.constant 16 : i32
    %eq3A_33 = vector.broadcast %eq3A_32 : i32 to vector<1x256xi32>
    %eq3A_34 = arith.cmpi eq, %select_n3A_31, %eq3A_33 : vector<1x256xi32>
    %jit3A_35 = arith.constant 1.000000e+00 : f32
    %jit3A_36 = arith.constant 0.000000e+00 : f32
    %broadcast_in_dim3A = vector.broadcast %jit3A_35 : f32 to vector<1x256xf32>
    %broadcast_in_dim3A_37 = vector.broadcast %jit3A_36 : f32 to vector<1x256xf32>
    %select_n3A_38 = arith.select %eq3A_34, %broadcast_in_dim3A, %broadcast_in_dim3A_37 : vector<1x256xi1>, vector<1x256xf32>
    %get3A_39 = arith.constant 0 : index
    %get3A_40 = arith.constant 0 : index
    %get3A_41 = vector.load %arg11[%get3A_39, %get3A_40] : memref<128x256xbf16, #tpu.memory_space<vmem>>, vector<128x256xbf16>
    %dot_general3A_42 = arith.constant dense<0.000000e+00> : vector<1024x256xf32>
    %dot_general3A_43 = tpu.matmul %convert_element_type3A_15, %get3A_41, %dot_general3A_42 {dimension_numbers = #tpu.dot_dimension_numbers<[1], [0], [0], [1], [0, 0, 1, 1], [], []>, transpose_lhs_hint = false} : vector<1024x128xbf16>, vector<128x256xbf16>, vector<1024x256xf32> -> vector<1024x256xf32>
    %add3A_44 = vector.broadcast %select_n3A_38 : vector<1x256xf32> to vector<1024x256xf32>
    %add3A_45 = arith.addf %dot_general3A_43, %add3A_44 : vector<1024x256xf32>
    %convert_element_type3A_46 = arith.truncf %add3A_45 : vector<1024x256xf32> to vector<1024x256xbf16>
    %get3A_47 = arith.constant 0 : index
    %get3A_48 = arith.constant 0 : index
    %get3A_49 = arith.constant 0 : index
    %get3A_50 = vector.load %arg10[%get3A_47, %get3A_48, %get3A_49] : memref<8x1024x128xbf16, #tpu.memory_space<vmem>>, vector<1x1024x128xbf16>
    %get3A_51 = vector.shape_cast %get3A_50 : vector<1x1024x128xbf16> to vector<1024x128xbf16>
    %dot_general3A_52 = arith.constant dense<0.000000e+00> : vector<1024x1024xf32>
    %dot_general3A_53 = tpu.matmul %get3A_51, %transpose3A, %dot_general3A_52 {dimension_numbers = #tpu.dot_dimension_numbers<[1], [0], [0], [1], [0, 0, 1, 1], [], []>, transpose_lhs_hint = false} : vector<1024x128xbf16>, vector<128x1024xbf16>, vector<1024x1024xf32> -> vector<1024x1024xf32>
    %convert_element_type3A_54 = arith.truncf %dot_general3A_53 : vector<1024x1024xf32> to vector<1024x1024xbf16>
    %exp23A = math.exp2 %convert_element_type3A_54 : vector<1024x1024xbf16>
    %slice3A = vector.extract_strided_slice %convert_element_type3A_46 {offsets = [0, 0], sizes = [1024, 32], strides = [1, 1]} : vector<1024x256xbf16> to vector<1024x32xbf16>
    %dot_general3A_55 = arith.constant dense<0.000000e+00> : vector<1024x32xf32>
    %dot_general3A_56 = tpu.matmul %exp23A, %slice3A, %dot_general3A_55 {dimension_numbers = #tpu.dot_dimension_numbers<[1], [0], [0], [1], [0, 0, 1, 1], [], []>, transpose_lhs_hint = false} : vector<1024x1024xbf16>, vector<1024x32xbf16>, vector<1024x32xf32> -> vector<1024x32xf32>
    %slice3A_57 = vector.extract_strided_slice %dot_general3A_56 {offsets = [0, 0], sizes = [1024, 16], strides = [1, 1]} : vector<1024x32xf32> to vector<1024x16xf32>
    %slice3A_58 = vector.extract_strided_slice %dot_general3A_56 {offsets = [0, 16], sizes = [1024, 1], strides = [1, 1]} : vector<1024x32xf32> to vector<1024x1xf32>
    %div3A = vector.broadcast %slice3A_58 : vector<1024x1xf32> to vector<1024x16xf32>
    %div3A_59 = arith.divf %slice3A_57, %div3A : vector<1024x16xf32>
    %convert_element_type3A_60 = arith.truncf %div3A_59 : vector<1024x16xf32> to vector<1024x16xbf16>
    %get3A_61 = arith.constant 1 : index
    %get3A_62 = arith.constant 0 : index
    %get3A_63 = arith.constant 0 : index
    %get3A_64 = vector.load %arg10[%get3A_61, %get3A_62, %get3A_63] : memref<8x1024x128xbf16, #tpu.memory_space<vmem>>, vector<1x1024x128xbf16>
    %get3A_65 = vector.shape_cast %get3A_64 : vector<1x1024x128xbf16> to vector<1024x128xbf16>
    %dot_general3A_66 = arith.constant dense<0.000000e+00> : vector<1024x1024xf32>
    %dot_general3A_67 = tpu.matmul %get3A_65, %transpose3A, %dot_general3A_66 {dimension_numbers = #tpu.dot_dimension_numbers<[1], [0], [0], [1], [0, 0, 1, 1], [], []>, transpose_lhs_hint = false} : vector<1024x128xbf16>, vector<128x1024xbf16>, vector<1024x1024xf32> -> vector<1024x1024xf32>
    %convert_element_type3A_68 = arith.truncf %dot_general3A_67 : vector<1024x1024xf32> to vector<1024x1024xbf16>
    %exp23A_69 = math.exp2 %convert_element_type3A_68 : vector<1024x1024xbf16>
    %slice3A_70 = vector.extract_strided_slice %convert_element_type3A_46 {offsets = [0, 32], sizes = [1024, 32], strides = [1, 1]} : vector<1024x256xbf16> to vector<1024x32xbf16>
    %dot_general3A_71 = arith.constant dense<0.000000e+00> : vector<1024x32xf32>
    %dot_general3A_72 = tpu.matmul %exp23A_69, %slice3A_70, %dot_general3A_71 {dimension_numbers = #tpu.dot_dimension_numbers<[1], [0], [0], [1], [0, 0, 1, 1], [], []>, transpose_lhs_hint = false} : vector<1024x1024xbf16>, vector<1024x32xbf16>, vector<1024x32xf32> -> vector<1024x32xf32>
    %slice3A_73 = vector.extract_strided_slice %dot_general3A_72 {offsets = [0, 0], sizes = [1024, 16], strides = [1, 1]} : vector<1024x32xf32> to vector<1024x16xf32>
    %slice3A_74 = vector.extract_strided_slice %dot_general3A_72 {offsets = [0, 16], sizes = [1024, 1], strides = [1, 1]} : vector<1024x32xf32> to vector<1024x1xf32>
    %div3A_75 = vector.broadcast %slice3A_74 : vector<1024x1xf32> to vector<1024x16xf32>
    %div3A_76 = arith.divf %slice3A_73, %div3A_75 : vector<1024x16xf32>
    %convert_element_type3A_77 = arith.truncf %div3A_76 : vector<1024x16xf32> to vector<1024x16xbf16>
    %get3A_78 = arith.constant 2 : index
    %get3A_79 = arith.constant 0 : index
    %get3A_80 = arith.constant 0 : index
    %get3A_81 = vector.load %arg10[%get3A_78, %get3A_79, %get3A_80] : memref<8x1024x128xbf16, #tpu.memory_space<vmem>>, vector<1x1024x128xbf16>
    %get3A_82 = vector.shape_cast %get3A_81 : vector<1x1024x128xbf16> to vector<1024x128xbf16>
    %dot_general3A_83 = arith.constant dense<0.000000e+00> : vector<1024x1024xf32>
    %dot_general3A_84 = tpu.matmul %get3A_82, %transpose3A, %dot_general3A_83 {dimension_numbers = #tpu.dot_dimension_numbers<[1], [0], [0], [1], [0, 0, 1, 1], [], []>, transpose_lhs_hint = false} : vector<1024x128xbf16>, vector<128x1024xbf16>, vector<1024x1024xf32> -> vector<1024x1024xf32>
    %convert_element_type3A_85 = arith.truncf %dot_general3A_84 : vector<1024x1024xf32> to vector<1024x1024xbf16>
    %exp23A_86 = math.exp2 %convert_element_type3A_85 : vector<1024x1024xbf16>
    %slice3A_87 = vector.extract_strided_slice %convert_element_type3A_46 {offsets = [0, 64], sizes = [1024, 32], strides = [1, 1]} : vector<1024x256xbf16> to vector<1024x32xbf16>
    %dot_general3A_88 = arith.constant dense<0.000000e+00> : vector<1024x32xf32>
    %dot_general3A_89 = tpu.matmul %exp23A_86, %slice3A_87, %dot_general3A_88 {dimension_numbers = #tpu.dot_dimension_numbers<[1], [0], [0], [1], [0, 0, 1, 1], [], []>, transpose_lhs_hint = false} : vector<1024x1024xbf16>, vector<1024x32xbf16>, vector<1024x32xf32> -> vector<1024x32xf32>
    %slice3A_90 = vector.extract_strided_slice %dot_general3A_89 {offsets = [0, 0], sizes = [1024, 16], strides = [1, 1]} : vector<1024x32xf32> to vector<1024x16xf32>
    %slice3A_91 = vector.extract_strided_slice %dot_general3A_89 {offsets = [0, 16], sizes = [1024, 1], strides = [1, 1]} : vector<1024x32xf32> to vector<1024x1xf32>
    %div3A_92 = vector.broadcast %slice3A_91 : vector<1024x1xf32> to vector<1024x16xf32>
    %div3A_93 = arith.divf %slice3A_90, %div3A_92 : vector<1024x16xf32>
    %convert_element_type3A_94 = arith.truncf %div3A_93 : vector<1024x16xf32> to vector<1024x16xbf16>
    %get3A_95 = arith.constant 3 : index
    %get3A_96 = arith.constant 0 : index
    %get3A_97 = arith.constant 0 : index
    %get3A_98 = vector.load %arg10[%get3A_95, %get3A_96, %get3A_97] : memref<8x1024x128xbf16, #tpu.memory_space<vmem>>, vector<1x1024x128xbf16>
    %get3A_99 = vector.shape_cast %get3A_98 : vector<1x1024x128xbf16> to vector<1024x128xbf16>
    %dot_general3A_100 = arith.constant dense<0.000000e+00> : vector<1024x1024xf32>
    %dot_general3A_101 = tpu.matmul %get3A_99, %transpose3A, %dot_general3A_100 {dimension_numbers = #tpu.dot_dimension_numbers<[1], [0], [0], [1], [0, 0, 1, 1], [], []>, transpose_lhs_hint = false} : vector<1024x128xbf16>, vector<128x1024xbf16>, vector<1024x1024xf32> -> vector<1024x1024xf32>
    %convert_element_type3A_102 = arith.truncf %dot_general3A_101 : vector<1024x1024xf32> to vector<1024x1024xbf16>
    %exp23A_103 = math.exp2 %convert_element_type3A_102 : vector<1024x1024xbf16>
    %slice3A_104 = vector.extract_strided_slice %convert_element_type3A_46 {offsets = [0, 96], sizes = [1024, 32], strides = [1, 1]} : vector<1024x256xbf16> to vector<1024x32xbf16>
    %dot_general3A_105 = arith.constant dense<0.000000e+00> : vector<1024x32xf32>
    %dot_general3A_106 = tpu.matmul %exp23A_103, %slice3A_104, %dot_general3A_105 {dimension_numbers = #tpu.dot_dimension_numbers<[1], [0], [0], [1], [0, 0, 1, 1], [], []>, transpose_lhs_hint = false} : vector<1024x1024xbf16>, vector<1024x32xbf16>, vector<1024x32xf32> -> vector<1024x32xf32>
    %slice3A_107 = vector.extract_strided_slice %dot_general3A_106 {offsets = [0, 0], sizes = [1024, 16], strides = [1, 1]} : vector<1024x32xf32> to vector<1024x16xf32>
    %slice3A_108 = vector.extract_strided_slice %dot_general3A_106 {offsets = [0, 16], sizes = [1024, 1], strides = [1, 1]} : vector<1024x32xf32> to vector<1024x1xf32>
    %div3A_109 = vector.broadcast %slice3A_108 : vector<1024x1xf32> to vector<1024x16xf32>
    %div3A_110 = arith.divf %slice3A_107, %div3A_109 : vector<1024x16xf32>
    %convert_element_type3A_111 = arith.truncf %div3A_110 : vector<1024x16xf32> to vector<1024x16xbf16>
    %get3A_112 = arith.constant 4 : index
    %get3A_113 = arith.constant 0 : index
    %get3A_114 = arith.constant 0 : index
    %get3A_115 = vector.load %arg10[%get3A_112, %get3A_113, %get3A_114] : memref<8x1024x128xbf16, #tpu.memory_space<vmem>>, vector<1x1024x128xbf16>
    %get3A_116 = vector.shape_cast %get3A_115 : vector<1x1024x128xbf16> to vector<1024x128xbf16>
    %dot_general3A_117 = arith.constant dense<0.000000e+00> : vector<1024x1024xf32>
    %dot_general3A_118 = tpu.matmul %get3A_116, %transpose3A, %dot_general3A_117 {dimension_numbers = #tpu.dot_dimension_numbers<[1], [0], [0], [1], [0, 0, 1, 1], [], []>, transpose_lhs_hint = false} : vector<1024x128xbf16>, vector<128x1024xbf16>, vector<1024x1024xf32> -> vector<1024x1024xf32>
    %convert_element_type3A_119 = arith.truncf %dot_general3A_118 : vector<1024x1024xf32> to vector<1024x1024xbf16>
    %exp23A_120 = math.exp2 %convert_element_type3A_119 : vector<1024x1024xbf16>
    %slice3A_121 = vector.extract_strided_slice %convert_element_type3A_46 {offsets = [0, 128], sizes = [1024, 32], strides = [1, 1]} : vector<1024x256xbf16> to vector<1024x32xbf16>
    %dot_general3A_122 = arith.constant dense<0.000000e+00> : vector<1024x32xf32>
    %dot_general3A_123 = tpu.matmul %exp23A_120, %slice3A_121, %dot_general3A_122 {dimension_numbers = #tpu.dot_dimension_numbers<[1], [0], [0], [1], [0, 0, 1, 1], [], []>, transpose_lhs_hint = false} : vector<1024x1024xbf16>, vector<1024x32xbf16>, vector<1024x32xf32> -> vector<1024x32xf32>
    %slice3A_124 = vector.extract_strided_slice %dot_general3A_123 {offsets = [0, 0], sizes = [1024, 16], strides = [1, 1]} : vector<1024x32xf32> to vector<1024x16xf32>
    %slice3A_125 = vector.extract_strided_slice %dot_general3A_123 {offsets = [0, 16], sizes = [1024, 1], strides = [1, 1]} : vector<1024x32xf32> to vector<1024x1xf32>
    %div3A_126 = vector.broadcast %slice3A_125 : vector<1024x1xf32> to vector<1024x16xf32>
    %div3A_127 = arith.divf %slice3A_124, %div3A_126 : vector<1024x16xf32>
    %convert_element_type3A_128 = arith.truncf %div3A_127 : vector<1024x16xf32> to vector<1024x16xbf16>
    %get3A_129 = arith.constant 5 : index
    %get3A_130 = arith.constant 0 : index
    %get3A_131 = arith.constant 0 : index
    %get3A_132 = vector.load %arg10[%get3A_129, %get3A_130, %get3A_131] : memref<8x1024x128xbf16, #tpu.memory_space<vmem>>, vector<1x1024x128xbf16>
    %get3A_133 = vector.shape_cast %get3A_132 : vector<1x1024x128xbf16> to vector<1024x128xbf16>
    %dot_general3A_134 = arith.constant dense<0.000000e+00> : vector<1024x1024xf32>
    %dot_general3A_135 = tpu.matmul %get3A_133, %transpose3A, %dot_general3A_134 {dimension_numbers = #tpu.dot_dimension_numbers<[1], [0], [0], [1], [0, 0, 1, 1], [], []>, transpose_lhs_hint = false} : vector<1024x128xbf16>, vector<128x1024xbf16>, vector<1024x1024xf32> -> vector<1024x1024xf32>
    %convert_element_type3A_136 = arith.truncf %dot_general3A_135 : vector<1024x1024xf32> to vector<1024x1024xbf16>
    %exp23A_137 = math.exp2 %convert_element_type3A_136 : vector<1024x1024xbf16>
    %slice3A_138 = vector.extract_strided_slice %convert_element_type3A_46 {offsets = [0, 160], sizes = [1024, 32], strides = [1, 1]} : vector<1024x256xbf16> to vector<1024x32xbf16>
    %dot_general3A_139 = arith.constant dense<0.000000e+00> : vector<1024x32xf32>
    %dot_general3A_140 = tpu.matmul %exp23A_137, %slice3A_138, %dot_general3A_139 {dimension_numbers = #tpu.dot_dimension_numbers<[1], [0], [0], [1], [0, 0, 1, 1], [], []>, transpose_lhs_hint = false} : vector<1024x1024xbf16>, vector<1024x32xbf16>, vector<1024x32xf32> -> vector<1024x32xf32>
    %slice3A_141 = vector.extract_strided_slice %dot_general3A_140 {offsets = [0, 0], sizes = [1024, 16], strides = [1, 1]} : vector<1024x32xf32> to vector<1024x16xf32>
    %slice3A_142 = vector.extract_strided_slice %dot_general3A_140 {offsets = [0, 16], sizes = [1024, 1], strides = [1, 1]} : vector<1024x32xf32> to vector<1024x1xf32>
    %div3A_143 = vector.broadcast %slice3A_142 : vector<1024x1xf32> to vector<1024x16xf32>
    %div3A_144 = arith.divf %slice3A_141, %div3A_143 : vector<1024x16xf32>
    %convert_element_type3A_145 = arith.truncf %div3A_144 : vector<1024x16xf32> to vector<1024x16xbf16>
    %get3A_146 = arith.constant 6 : index
    %get3A_147 = arith.constant 0 : index
    %get3A_148 = arith.constant 0 : index
    %get3A_149 = vector.load %arg10[%get3A_146, %get3A_147, %get3A_148] : memref<8x1024x128xbf16, #tpu.memory_space<vmem>>, vector<1x1024x128xbf16>
    %get3A_150 = vector.shape_cast %get3A_149 : vector<1x1024x128xbf16> to vector<1024x128xbf16>
    %dot_general3A_151 = arith.constant dense<0.000000e+00> : vector<1024x1024xf32>
    %dot_general3A_152 = tpu.matmul %get3A_150, %transpose3A, %dot_general3A_151 {dimension_numbers = #tpu.dot_dimension_numbers<[1], [0], [0], [1], [0, 0, 1, 1], [], []>, transpose_lhs_hint = false} : vector<1024x128xbf16>, vector<128x1024xbf16>, vector<1024x1024xf32> -> vector<1024x1024xf32>
    %convert_element_type3A_153 = arith.truncf %dot_general3A_152 : vector<1024x1024xf32> to vector<1024x1024xbf16>
    %exp23A_154 = math.exp2 %convert_element_type3A_153 : vector<1024x1024xbf16>
    %slice3A_155 = vector.extract_strided_slice %convert_element_type3A_46 {offsets = [0, 192], sizes = [1024, 32], strides = [1, 1]} : vector<1024x256xbf16> to vector<1024x32xbf16>
    %dot_general3A_156 = arith.constant dense<0.000000e+00> : vector<1024x32xf32>
    %dot_general3A_157 = tpu.matmul %exp23A_154, %slice3A_155, %dot_general3A_156 {dimension_numbers = #tpu.dot_dimension_numbers<[1], [0], [0], [1], [0, 0, 1, 1], [], []>, transpose_lhs_hint = false} : vector<1024x1024xbf16>, vector<1024x32xbf16>, vector<1024x32xf32> -> vector<1024x32xf32>
    %slice3A_158 = vector.extract_strided_slice %dot_general3A_157 {offsets = [0, 0], sizes = [1024, 16], strides = [1, 1]} : vector<1024x32xf32> to vector<1024x16xf32>
    %slice3A_159 = vector.extract_strided_slice %dot_general3A_157 {offsets = [0, 16], sizes = [1024, 1], strides = [1, 1]} : vector<1024x32xf32> to vector<1024x1xf32>
    %div3A_160 = vector.broadcast %slice3A_159 : vector<1024x1xf32> to vector<1024x16xf32>
    %div3A_161 = arith.divf %slice3A_158, %div3A_160 : vector<1024x16xf32>
    %convert_element_type3A_162 = arith.truncf %div3A_161 : vector<1024x16xf32> to vector<1024x16xbf16>
    %get3A_163 = arith.constant 7 : index
    %get3A_164 = arith.constant 0 : index
    %get3A_165 = arith.constant 0 : index
    %get3A_166 = vector.load %arg10[%get3A_163, %get3A_164, %get3A_165] : memref<8x1024x128xbf16, #tpu.memory_space<vmem>>, vector<1x1024x128xbf16>
    %get3A_167 = vector.shape_cast %get3A_166 : vector<1x1024x128xbf16> to vector<1024x128xbf16>
    %dot_general3A_168 = arith.constant dense<0.000000e+00> : vector<1024x1024xf32>
    %dot_general3A_169 = tpu.matmul %get3A_167, %transpose3A, %dot_general3A_168 {dimension_numbers = #tpu.dot_dimension_numbers<[1], [0], [0], [1], [0, 0, 1, 1], [], []>, transpose_lhs_hint = false} : vector<1024x128xbf16>, vector<128x1024xbf16>, vector<1024x1024xf32> -> vector<1024x1024xf32>
    %convert_element_type3A_170 = arith.truncf %dot_general3A_169 : vector<1024x1024xf32> to vector<1024x1024xbf16>
    %exp23A_171 = math.exp2 %convert_element_type3A_170 : vector<1024x1024xbf16>
    %slice3A_172 = vector.extract_strided_slice %convert_element_type3A_46 {offsets = [0, 224], sizes = [1024, 32], strides = [1, 1]} : vector<1024x256xbf16> to vector<1024x32xbf16>
    %dot_general3A_173 = arith.constant dense<0.000000e+00> : vector<1024x32xf32>
    %dot_general3A_174 = tpu.matmul %exp23A_171, %slice3A_172, %dot_general3A_173 {dimension_numbers = #tpu.dot_dimension_numbers<[1], [0], [0], [1], [0, 0, 1, 1], [], []>, transpose_lhs_hint = false} : vector<1024x1024xbf16>, vector<1024x32xbf16>, vector<1024x32xf32> -> vector<1024x32xf32>
    %slice3A_175 = vector.extract_strided_slice %dot_general3A_174 {offsets = [0, 0], sizes = [1024, 16], strides = [1, 1]} : vector<1024x32xf32> to vector<1024x16xf32>
    %slice3A_176 = vector.extract_strided_slice %dot_general3A_174 {offsets = [0, 16], sizes = [1024, 1], strides = [1, 1]} : vector<1024x32xf32> to vector<1024x1xf32>
    %div3A_177 = vector.broadcast %slice3A_176 : vector<1024x1xf32> to vector<1024x16xf32>
    %div3A_178 = arith.divf %slice3A_175, %div3A_177 : vector<1024x16xf32>
    %convert_element_type3A_179 = arith.truncf %div3A_178 : vector<1024x16xf32> to vector<1024x16xbf16>
    %concatenate3A = tpu.concatenate %convert_element_type3A_60, %convert_element_type3A_77, %convert_element_type3A_94, %convert_element_type3A_111, %convert_element_type3A_128, %convert_element_type3A_145, %convert_element_type3A_162, %convert_element_type3A_179 in 1 : vector<1024x16xbf16>, vector<1024x16xbf16>, vector<1024x16xbf16>, vector<1024x16xbf16>, vector<1024x16xbf16>, vector<1024x16xbf16>, vector<1024x16xbf16>, vector<1024x16xbf16> -> vector<1024x128xbf16>
    %get3A_180 = arith.constant 0 : index
    %get3A_181 = arith.constant 0 : index
    %get3A_182 = vector.load %arg8[%get3A_180, %get3A_181] : memref<128x44xf32, #tpu.memory_space<vmem>>, vector<128x44xf32>
    %convert_element_type3A_183 = arith.truncf %get3A_182 : vector<128x44xf32> to vector<128x44xbf16>
    %dot_general3A_184 = arith.constant dense<0.000000e+00> : vector<1024x44xf32>
    %dot_general3A_185 = tpu.matmul %concatenate3A, %convert_element_type3A_183, %dot_general3A_184 {dimension_numbers = #tpu.dot_dimension_numbers<[1], [0], [0], [1], [0, 0, 1, 1], [], []>, transpose_lhs_hint = false} : vector<1024x128xbf16>, vector<128x44xbf16>, vector<1024x44xf32> -> vector<1024x44xf32>
    %swap3A = arith.constant 0 : index
    %swap3A_186 = arith.constant 0 : index
    %swap3A_187 = arith.constant 0 : index
    %swap3A_188 = vector.load %arg9[%swap3A, %swap3A_186, %swap3A_187] : memref<1x1024x44xf32, #tpu.memory_space<vmem>>, vector<1x1024x44xf32>
    %swap3A_189 = vector.shape_cast %swap3A_188 : vector<1x1024x44xf32> to vector<1024x44xf32>
    %swap3A_190 = vector.shape_cast %dot_general3A_185 : vector<1024x44xf32> to vector<1x1024x44xf32>
    tpu.vector_store %arg9[%swap3A, %swap3A_186, %swap3A_187], %swap3A_190 {strides = array<i32>} : memref<1x1024x44xf32, #tpu.memory_space<vmem>>, vector<1x1024x44xf32>,
    return
  }
  func.func @transform_0(%arg0: i32) -> (i32, i32, i32) {
    %c0_i32 = arith.constant 0 : i32
    %c0_i32_0 = arith.constant 0 : i32
    %c0_i32_1 = arith.constant 0 : i32
    return %arg0, %c0_i32, %c0_i32_0 : i32, i32, i32
  }
  func.func @transform_1(%arg0: i32) -> (i32, i32) {
    %c0_i32 = arith.constant 0 : i32
    %c0_i32_0 = arith.constant 0 : i32
    %c0_i32_1 = arith.constant 0 : i32
    return %c0_i32, %c0_i32_0 : i32, i32
  }
  func.func @transform_2(%arg0: i32) -> (i32, i32) {
    %c0_i32 = arith.constant 0 : i32
    %c0_i32_0 = arith.constant 0 : i32
    %c0_i32_1 = arith.constant 0 : i32
    return %c0_i32, %c0_i32_0 : i32, i32
  }
  func.func @transform_3(%arg0: i32) -> (i32, i32) {
    %c0_i32 = arith.constant 0 : i32
    %c0_i32_0 = arith.constant 0 : i32
    %c0_i32_1 = arith.constant 0 : i32
    return %c0_i32, %c0_i32_0 : i32, i32
  }
  func.func @transform_4(%arg0: i32) -> (i32, i32) {
    %c0_i32 = arith.constant 0 : i32
    %c0_i32_0 = arith.constant 0 : i32
    %c0_i32_1 = arith.constant 0 : i32
    return %c0_i32, %c0_i32_0 : i32, i32
  }
  func.func @transform_5(%arg0: i32) -> (i32, i32) {
    %c0_i32 = arith.constant 0 : i32
    %c0_i32_0 = arith.constant 0 : i32
    %c0_i32_1 = arith.constant 0 : i32
    return %c0_i32, %c0_i32_0 : i32, i32
  }
  func.func @transform_6(%arg0: i32) -> (i32, i32) {
    %c0_i32 = arith.constant 0 : i32
    %c0_i32_0 = arith.constant 0 : i32
    %c0_i32_1 = arith.constant 0 : i32
    return %c0_i32, %c0_i32_0 : i32, i32
  }
  func.func @transform_7(%arg0: i32) -> (i32, i32) {
    %c0_i32 = arith.constant 0 : i32
    %c0_i32_0 = arith.constant 0 : i32
    %c0_i32_1 = arith.constant 0 : i32
    return %c0_i32, %c0_i32_0 : i32, i32
  }
  func.func @transform_8(%arg0: i32) -> (i32, i32, i32) {
    %c0_i32 = arith.constant 0 : i32
    %c0_i32_0 = arith.constant 0 : i32
    %c0_i32_1 = arith.constant 0 : i32
    return %arg0, %c0_i32, %c0_i32_0 : i32, i32, i32
  }
}

</mosaic_0001>

<sc_bundles>
// kernel: kernel.4.cloned.1.call-start
scs
__scs_entry_jumppad:
0x0: {  	(pc) =	sbr.rel $0x88, $3  }
0x1: {  	(tag) =	ssettag $0x0;
	lr =	simm.s32 $0x1  }
0x2: {  	[smem:$0x3F98] =	sst lr;
	_ =	strace $0xD0000000  }
0x3: {  	_ = 	snop  }
0x4: {  	_ = 	snop  }
0x5: {  	_ = 	snop  }
0x6: {  	_ = 	snop  }
0x7: {  	_ = 	snop  }
__scs_overlays_trampoline_lowered:
0x8: {  	[smem:$0x3FA7] =	sst s0  }
0x9: {  	[smem:$0x3FA8] =	sst s1  }
0xa: {  	[smem:$0x3FA9] =	sst s2  }
0xb: {  	[smem:$0x3FAA] =	sst s3  }
0xc: {  	[smem:$0x3FAB] =	sst s4  }
0xd: {  	[smem:$0x3FAC] =	sst s5  }
0xe: {  	[smem:$0x3FAD] =	sst s6  }
0xf: {  	[smem:$0x3FAE] =	sst s7  }
0x10: {  	[smem:$0x3FAF] =	sst s8  }
0x11: {  	[smem:$0x3FB0] =	sst s9;
	s0 =	simm.s32 @!p0 $0x0  }
0x12: {  	s1 =	sld [smem:$0x3F96];
	s0 =	simm.s32 @p0 $0x1  }
0x13: {  	[smem:$0x3FB1] =	sst s0;
	s0 =	simm.s32 @!p1 $0x0  }
0x14: {  	s2 =	sld [smem:$0x3F95];
	s0 =	simm.s32 @p1 $0x1  }
0x15: {  	[smem:$0x3FB2] =	sst s0;
	s0 =	simm.s32 @!p2 $0x0  }
0x16: {  	s3 =	sld [smem:$0x3FDB];
	s0 =	simm.s32 @p2 $0x1  }
0x17: {  	s4 =	simm.s32 $0x1BF5;
	[smem:$0x3FB4] =	sst s0  }
0x18: {  	s0 =	sld [smem:$0x3F97];
	_ =	swait.ge [sflag:s4], $0x0  }
0x19: {  	s7 =	sld [smem:$0x3F98]  }
0x1a: {  	s8 =	sadd.s32 $0xFFFFE003, lr  }
0x1b: {  	s9 =	sadd.s32 $0xFFFFFEF7, lr;
	s5 =	simm.s32 $0xFFFFFFFF;
	p2 =	slt.u32 s8, $0xFFFFF086  }
0x1c: {  	p1 =	slt.u32 s9, $0xF7A;
	s5 =	simm.s32 @!p2 $0x0  }
0x1d: {  	s5 =	simm.s32 @p1 $0x1;
	p0 =	seq.s32 s7, s2  }
0x1e: {  	s7 =	smul.u32 @!p0 $0xF7A, s2;
	p2 =	seq.s32 @!p0 s5, $0x0  }
0x1f: {  	s9 =	smul.u32 $0xF7A, s1;
	s8 =	simm.s32 @!p0 $0x1BF5;
	p2 =	por !p2, p0  }
0x20: {  	[sflag:s8] =	ssyncset.s32 @!p0 $0xFFFFF086;
	s6 =	sadd.s32 @!p0 s3, s7;
	s7 =	simm.s32 @!p0 $0x108  }
0x21: {  	s3 =	sadd.s32 s3, s9;
	s6 =	sadd.s32 @!p0 $0x88, s6;
	s7 =	simm.s32 @p2 $0x1082  }
0x22: {  	[simem:s7], [sflag:s8] =	dma.local @!p0 [hbm:s6], $0xF7A  }
0x23: {  	s9 =	sor.u32 $0xD0000000, s2;
	s6 =	simm.s32 $0x108;
	_ =	swait.ge @!p0 [sflag:s8], $0x0  }
0x24: {  	s3 =	sadd.s32 $0x88, s3;
	s6 =	simm.s32 @!p1 $0x1082;
	[sflag:s4] =	ssyncset.s32 $0xFFFFF086  }
0x25: {  	[simem:s6], [sflag:s4] =	dma.local [hbm:s3], $0xF7A  }
0x26: {  	[smem:$0x3F98] =	sst s1;
	(tag) =	ssettag s2;
	_ =	strace s9  }
0x27: {  	s1 =	sld [smem:$0x3FA8]  }
0x28: {  	s2 =	sld [smem:$0x3FA9]  }
0x29: {  	s4 =	sld [smem:$0x3FAB]  }
0x2a: {  	p0 =	seq.s32 s5, $0x0;
	s5 =	sld [smem:$0x3FAC]  }
0x2b: {  	s6 =	sld [smem:$0x3FAD]  }
0x2c: {  	s7 =	sld [smem:$0x3FAE]  }
0x2d: {  	s3 =	simm.s32 $0x108;
	s8 =	sld [smem:$0x3FAF]  }
0x2e: {  	s3 =	simm.s32 @!p0 $0x1082;
	s9 =	sld [smem:$0x3FB0]  }
0x2f: {  	lr =	sadd.s32 s0, s3;
	s0 =	sld [smem:$0x3FA7]  }
0x30: {  	s3 =	sld [smem:$0x3FAA]  }
0x31: {  	[smem:$0x3FB3] =	sst s10  }
0x32: {  	s10 =	sld [smem:$0x3FB1];
	_ =	sdelay $0x3  }
0x33: {  	p0 =	seq.s32 s10, $0x1;
	s10 =	sld [smem:$0x3FB3];
	_ =	sdelay $0x3  }
0x34: {  	[smem:$0x3FB3] =	sst s10  }
0x35: {  	s10 =	sld [smem:$0x3FB2];
	_ =	sdelay $0x3  }
0x36: {  	p1 =	seq.s32 s10, $0x1;
	s10 =	sld [smem:$0x3FB3];
	_ =	sdelay $0x3  }
0x37: {  	[smem:$0x3FB3] =	sst s10  }
0x38: {  	s10 =	sld [smem:$0x3FB4]  }
0x39: {  	_ = 	snop;
	(pc) =	sbr.ind lr, $3  }
0x3a: {  	_ = 	snop  }
0x3b: {  	_ = 	snop  }
0x3c: {  	p2 =	seq.s32 s10, $0x1;
	s10 =	sld [smem:$0x3FB3]  }
0x3d: {  	_ =	shalt  }
0x3e: {  	_ =	shalt  }
0x3f: {  	_ =	shalt  }
0x40: {  	_ =	shalt  }
0x41: {  	_ =	shalt  }
0x42: {  	_ =	shalt  }
0x43: {  	_ =	shalt  }
0x44: {  	_ =	shalt  }
0x45: {  	_ =	shalt  }
0x46: {  	_ =	shalt  }
0x47: {  	_ =	shalt  }
0x48: {  	_ =	shalt  }
0x49: {  	_ =	shalt  }
0x4a: {  	_ =	shalt  }
0x4b: {  	_ =	shalt  }
0x4c: {  	_ =	shalt  }
0x4d: {  	_ =	shalt  }
0x4e: {  	_ =	shalt  }
0x4f: {  	_ =	shalt  }
0x50: {  	_ =	shalt  }
0x51: {  	_ =	shalt  }
0x52: {  	_ =	shalt  }
0x53: {  	_ =	shalt  }
0x54: {  	_ =	shalt  }
0x55: {  	_ =	shalt  }
0x56: {  	_ =	shalt  }
0x57: {  	_ =	shalt  }
0x58: {  	_ =	shalt  }
0x59: {  	_ =	shalt  }
0x5a: {  	_ =	shalt  }
0x5b: {  	_ =	shalt  }
0x5c: {  	_ =	shalt  }
0x5d: {  	_ =	shalt  }
0x5e: {  	_ =	shalt  }
0x5f: {  	_ =	shalt  }
0x60: {  	_ =	shalt  }
0x61: {  	_ =	shalt  }
0x62: {  	_ =	shalt  }
0x63: {  	_ =	shalt  }
0x64: {  	_ =	shalt  }
0x65: {  	_ =	shalt  }
0x66: {  	_ =	shalt  }
0x67: {  	_ =	shalt  }
0x68: {  	_ =	shalt  }
0x69: {  	_ =	shalt  }
0x6a: {  	_ =	shalt  }
0x6b: {  	_ =	shalt  }
0x6c: {  	_ =	shalt  }
0x6d: {  	_ =	shalt  }
0x6e: {  	_ =	shalt  }
0x6f: {  	_ =	shalt  }
0x70: {  	_ =	shalt  }
0x71: {  	_ =	shalt  }
0x72: {  	_ =	shalt  }
0x73: {  	_ =	shalt  }
0x74: {  	_ =	shalt  }
0x75: {  	_ =	shalt  }
0x76: {  	_ =	shalt  }
0x77: {  	_ =	shalt  }
0x78: {  	_ =	shalt  }
0x79: {  	_ =	shalt  }
0x7a: {  	_ =	shalt  }
0x7b: {  	_ =	shalt  }
0x7c: {  	_ =	shalt  }
0x7d: {  	_ =	shalt  }
0x7e: {  	_ =	shalt  }
0x7f: {  	_ =	shalt  }
0x80: {  	_ =	shalt  }
0x81: {  	_ =	shalt  }
0x82: {  	_ =	shalt  }
0x83: {  	_ =	shalt  }
0x84: {  	_ =	shalt  }
0x85: {  	_ =	shalt  }
0x86: {  	_ =	shalt  }
0x87: {  	_ =	shalt  }
.Lfunc_end0:
.L_simem_size_0:
called_computation_lowered:
.L_overlay_start_0:
0x88: {  	s2 =	sld [smem:$0x3FD9]  }
0x89: {  	s3 =	sld [smem:$0x3FFE];
	_ =	sdelay $0x1  }
0x8a: {  	s1 =	srdreg.scid  }
0x8b: {  	s0 =	sand.u32 $0x1, s1  }
0x8c: {  	s17 =	sshll.u32 s0, $0xA;
	s2 =	sadd.s32 s3, s2  }
0x8d: {  	s2 =	sadd.s32 s2, s17  }
0x8e: {  	[smem:$0x3FBF] =	sst s2  }
0x8f: {  	_ = 	snop  }
0x90: {  	s2 =	sld [smem:$0x3FC8]  }
0x91: {  	s18 =	sld [smem:$0x3FC7]  }
0x92: {  	s4 =	sld [smem:$0x3FC5]  }
0x93: {  	s5 =	sld [smem:$0x3FD0];
	(tm) =	ssettm $0x1  }
0x94: {  	s6 =	sld [smem:$0x3FFB];
	_ =	sdelay $0x3  }
0x95: {  	_ =	strace s6  }
0x96: {  	s6 =	sld [smem:$0x3FFC];
	_ =	sdelay $0x3  }
0x97: {  	_ =	strace s6  }
0x98: {  	s6 =	sld [smem:$0x3FFD];
	_ =	sdelay $0x3  }
0x99: {  	_ =	strace s6  }
0x9a: {  	_ =	strace $0x8FFFFFFF  }
0x9b: {  	s19 =	sld [smem:$0x3FDB];
	_ =	sdelay $0x1  }
0x9c: {  	s7 =	simm.s32 $_scs_section_size  }
0x9d: {  	s8 =	simm.s32 $_size__tile_overlayer_lowered;
	s9 =	simm.s32 $_tile_overlayer_lowered  }
0x9e: {  	s22 =	simm.s32 $0x1BFF;
	s21 =	sshll.u32 s9, $0x1;
	s6 =	sadd.s32 s7, s19  }
0x9f: {  	s10 =	simm.s32 $0x0;
	s20 =	sshll.u32 s8, $0x1;
	s8 =	sadd.s32 s21, s6  }
0xa0: {  	[timem:s10], [sflag:s22] =	dma.local [hbm:s8], s20  }
0xa1: {  	_ =	swait.ge [sflag:s22], s20  }
0xa2: {  	s7 =	ssub.s32 $0x0, s20;
	[sflag:s22] =	ssyncset.done $0x0  }
0xa3: {  	[sflag:s22] =	ssyncadd.s32 s7;
	_ =	sdelay $0x1  }
0xa4: {  	s23 =	simm.s32 $0x1B8B  }
0xa5: {  	_ =	swait.ge [sflag:s23], $0x1  }
0xa6: {  	[sflag:s23] =	ssyncset.done $0x0  }
0xa7: {  	s25 =	simm.s32 $0x1B8E;
	s24 =	sld [smem:$0x3FFE];
	[sflag:s23] =	ssyncadd.s32 $0xFFFFFFFF  }
0xa8: {  	s26 =	simm.s32 $execute0_lowered;
	[smem:$0x3FD2] =	sst s25  }
0xa9: {  	s8 =	sshll.u32 s26, $0x1;
	_ =	strace $0x80000046;
	[dreg:$0x1] =	wrdreg $0xFFFFFFFF  }
0xaa: {  	s28 =	simm.s32 $_size_execute0_lowered;
	s6 =	sadd.s32 s6, s8;
	[dreg:$0x0] =	wrdreg $0x0  }
0xab: {  	s8 =	sshll.u32 s28, $0x1;
	[dreg:$0x2] =	wrdreg s6  }
0xac: {  	[dreg:$0x3] =	wrdreg s8  }
0xad: {  	[dreg:$0x4] =	wrdreg $0xC0  }
0xae: {  	_ =	task [dreg:s10], $0x5FFFF  }
0xaf: {  	[dreg:$0x1] =	wrdreg $0xFFFFFFFF  }
0xb0: {  	[dreg:$0x0] =	wrdreg $0x60  }
0xb1: {  	[dreg:$0x2] =	wrdreg s24  }
0xb2: {  	[dreg:$0x3] =	wrdreg s2  }
0xb3: {  	[dreg:$0x4] =	wrdreg s18  }
0xb4: {  	[dreg:$0x5] =	wrdreg s4  }
0xb5: {  	[dreg:$0x6] =	wrdreg s5  }
0xb6: {  	[dreg:$0x7] =	wrdreg $0x9  }
0xb7: {  	_ =	task.clear_ibuf [dreg:s10], $0x8FFFF;
	_ =	strace $0x90000046  }
0xb8: {  	s29 =	simm.s32 $0x9;
	_ =	strace $0x80000048  }
0xb9: {  	_ =	swait.ge [sflag:s29], $0x1  }
0xba: {  	[sflag:s29] =	ssyncadd.s32 $0xFFFFFFFF  }
0xbb: {  	_ =	strace $0x90000048  }
0xbc: {  	_ =	sfence  }
0xbd: {  	s30 =	sld [smem:$0x0];
	_ =	sdelay $0x2  }
0xbe: {  	s31 =	sshll.u32 s1, $0xD;
	s1 =	sshrl.u32 s1, $0x2  }
0xbf: {  	s3 =	sand.u32 $0x4000, s31;
	s1 =	sadd.s32 s1, s30  }
0xc0: {  	s0 =	sor.u32 s3, s0;
	s1 =	sshll.u32 s1, $0x11  }
0xc1: {  	s0 =	sor.u32 s1, s0  }
0xc2: {  	s0 =	sadd.s32 $0x8F2B, s0  }
0xc3: {  	[sflag:s0] =	ssyncadd.remote.s32 $0x1  }
0xc4: {  	_ =	sfence.sel $0xFFFF  }
0xc5: {  	[dreg:$0x0] =	wrdreg $0xFFFFFFFF;
	(pc) =	sbr.abs _section_cstart, $3  }
0xc6: {  	[dreg:$0x1] =	wrdreg $0xFFFFFFFF  }
0xc7: {  	_ =	task.clear_ibuf [dreg:s10], $0x2FFFF;
	_ =	strace $0x9FFFFFFF  }
0xc8: {  	(tm) =	ssettm $0x7FFFFFFF  }
0xc9: {  	_ =	shalt  }
tec
execute0_lowered:
.L_overlay_start_1:
0x0: {  	(tag) =	ssettag $0x1  }
0x1: {  	s13 =	rddreg [dreg:$0x0]  }
0x2: {  	s5 =	rddreg [dreg:$0x1]  }
0x3: {  	s6 =	rddreg [dreg:$0x2]  }
0x4: {  	s4 =	rddreg [dreg:$0x3]  }
0x5: {  	s12 =	rddreg [dreg:$0x4]  }
0x6: {  	s0 =	rddreg [dreg:$0x5];
	s2 =	simm.s32 $0x0;
	s1 =	srdreg.scid  }
0x7: {  	[smem:$0x7FF] =	sst s2;
	s14 =	sand.u32 $0x1, s1  }
0x8: {  	s1 =	stileid.u32;
	_ =	strace $0x80000047;
	s3 =	sshll.u32 s14, $0x6  }
0x9: {  	s8 =	sshll.u32 s1, $0x1;
	s7 =	sadd.s32 s5, s3;
	s3 =	simm.s32 $0x4  }
0xa: {  	[tilespmem:s2], [sflag:$0x4] =	stream.linear.gather [hbm4b:s7+s2], $0x200, $0x38;
	[tilespmem:$0x12240] =	vst v63  }
0xb: {  	s15 =	sor.u32 s14, s8;
	_ =	swait.ge [sflag:s3], $0x200  }
0xc: {  	s9 =	sshll.u32 s15, $0x2;
	[sflag:s3] =	ssyncset.done $0x0  }
0xd: {  	s8 =	sadd.s32 s5, s9;
	s5 =	simm.s32 $0x10200;
	[sflag:s3] =	ssyncadd.s32 $0xFFFFFE00  }
0xe: {  	[tilespmem:s5], [sflag:$0x4] =	stream.linear.gather [hbm4b:s8+s2], $0x20, $0x38;
	[tilespmem:$0x12240] =	vst v63  }
0xf: {  	_ =	swait.ge [sflag:s3], $0x20  }
0x10: {  	[sflag:s3] =	ssyncset.done $0x0  }
0x11: {  	s9 =	sadd.s32 s6, s9;
	s6 =	simm.s32 $0x11220;
	[sflag:s3] =	ssyncadd.s32 $0xFFFFFFE0  }
0x12: {  	[tilespmem:s6], [sflag:$0x4] =	stream.linear.gather [hbm4b:s9+s2], $0x20, $0x38;
	[tilespmem:$0x12240] =	vst v63  }
0x13: {  	_ =	swait.ge [sflag:s3], $0x20  }
0x14: {  	[sflag:s3] =	ssyncset.done $0x0  }
0x15: {  	[sflag:s3] =	ssyncadd.s32 $0xFFFFFFE0  }
0x16: {  	p1 =	seq.s32 s14, $0x1;
	p0 =	seq.s32 s15, $0x0;
	v1 =	vld [tilespmem:$0x1D0]  }
0x17: {  	p0 =	por !p0, !p1;
	v2 =	vld [tilespmem:$0x1E0]  }
0x18: {  	s10 =	simm.s32 $0x1;
	p0 =	por !p0, !p0;
	v3 =	vld [tilespmem:$0x1C0]  }
0x19: {  	s10 =	simm.s32 @!p0 $0x0;
	v4 =	vld [tilespmem:$0x130]  }
0x1a: {  	s10 =	ssub.s32 s1, s10;
	v5 =	vld [tilespmem:$0x1A0]  }
0x1b: {  	s11 =	sshll.u32 s10, $0xB;
	v6 =	vld [tilespmem:$0x190]  }
0x1c: {  	v0 =	vmov s11;
	v7 =	vld [tilespmem:$0x180]  }
0x1d: {  	v8 =	vld [tilespmem:$0x160];
	v2 =	vadd.s32 v0, v2  }
0x1e: {  	v3 =	vadd.s32 v0, v3;
	[tilespmem:$0x1E0] =	vst v2;
	v2 =	vld [tilespmem:$0x150]  }
0x1f: {  	v4 =	vadd.s32 v0, v4;
	[tilespmem:$0x1C0] =	vst v3;
	v3 =	vld [tilespmem:$0x140]  }
0x20: {  	v6 =	vadd.s32 v0, v6;
	[tilespmem:$0x130] =	vst v4;
	v4 =	vadd.s32 v0, v5;
	v5 =	vld [tilespmem:$0xB0]  }
0x21: {  	v7 =	vadd.s32 v0, v7;
	[tilespmem:$0x190] =	vst v6;
	v6 =	vld [tilespmem:$0x110]  }
0x22: {  	v8 =	vadd.s32 v0, v8;
	[tilespmem:$0x180] =	vst v7;
	v7 =	vld [tilespmem:$0x100]  }
0x23: {  	[tilespmem:$0x160] =	vst v8;
	v8 =	vld [tilespmem:$0xE0]  }
0x24: {  	[tilespmem:$0x1A0] =	vst v4;
	v4 =	vld [tilespmem:$0x120];
	v2 =	vadd.s32 v0, v2  }
0x25: {  	v3 =	vadd.s32 v0, v3;
	[tilespmem:$0x150] =	vst v2;
	v2 =	vld [tilespmem:$0xD0]  }
0x26: {  	v6 =	vadd.s32 v0, v6;
	[tilespmem:$0x140] =	vst v3;
	v3 =	vld [tilespmem:$0xC0]  }
0x27: {  	s17 =	sshll.u32 s14, $0x10;
	s14 =	ssub.s32 $0x2, s14;
	v5 =	vadd.s32 v0, v5;
	[tilespmem:$0x110] =	vst v6;
	v6 =	vld [tilespmem:$0x90]  }
0x28: {  	s31 =	sshrl.u32 s14, $0x1;
	s16 =	sshll.u32 s10, $0x11;
	v7 =	vadd.s32 v0, v7;
	[tilespmem:$0xB0] =	vst v5;
	v5 =	vld [tilespmem:$0x30]  }
0x29: {  	s16 =	sor.u32 s17, s16;
	s17 =	ssub.s32 s14, s31;
	v4 =	vadd.s32 v0, v4;
	[tilespmem:$0x100] =	vst v7;
	v7 =	vld [tilespmem:$0x80]  }
0x2a: {  	s21 =	smax.u32 s17, $0x1;
	v8 =	vadd.s32 v0, v8;
	[tilespmem:$0x120] =	vst v4;
	v4 =	vld [tilespmem:$0xA0]  }
0x2b: {  	s18 =	simm.s32 $0x10220;
	s20 =	simm.s32 $0x2;
	p0 =	sne.s32 s21, $0x1;
	[tilespmem:$0xE0] =	vst v8;
	v8 =	vld [tilespmem:$0x70];
	v2 =	vadd.s32 v0, v2  }
.Ltmp0:
0x2c: {  	s19 =	simm.s32 $0x3;
	s15 =	sshll.u32 s15, $0x9;
	v3 =	vadd.s32 v0, v3;
	v10 =	vadd.s32 v0, v6;
	v6 =	vld [tilespmem:$0x20];
	[tilespmem:$0xD0] =	vst v2;
	(pc) =	sbr.rel @!p0 .LBB2_2-.Ltmp0, $4  }
0x2d: {  	s10 =	simm.s32 $0x1;
	s11 =	sadd.s32 $0x1800, s13;
	s16 =	sshrl.u32 s16, $0x3;
	v5 =	vadd.s32 v0, v5;
	[tilespmem:$0xC0] =	vst v3;
	v3 =	vld [tilespmem:$0x10]  }
0x2e: {  	s17 =	simm.s32 $0x20;
	s16 =	sadd.s32 s16, s13;
	s13 =	sadd.s32 s15, s13;
	[tilespmem:$0x30] =	vst v5;
	v5 =	vld [tilespmem:$0xF0]  }
0x2f: {  	s15 =	sadd.s32 s12, s15;
	s21 =	sadd.s32 $0xFFFFFFFF, s21;
	s14 =	sadd.s32 $0xC1800, s13;
	v9 =	vadd.s32 v0, v4;
	v4 =	vld [tilespmem:$0x0];
	[tilespmem:$0x90] =	vst v10  }
0x30: {  	s12 =	sadd.s32 $0x81800, s16;
	s13 =	simm.s32 $0x200;
	s16 =	simm.s32 $0x11240;
	v7 =	vadd.s32 v0, v7;
	v8 =	vadd.s32 v0, v8;
	v2 =	vld [tilespmem:$0x60];
	[tilespmem:$0xA0] =	vst v9  }
.LBB2_1:
0x31: {  	p0 =	sne.s32 s21, $0x1;
	s21 =	sadd.s32 $0xFFFFFFFF, s21;
	[tilespmem:$0x80] =	vst v7;
	_ =	sdelay $0x1  }
0x32: {  	v3 =	vadd.s32 v0, v3;
	[tilespmem:$0x70] =	vst v8;
	v5 =	vadd.s32 v0, v5;
	v7 =	vld [tilespmem:$0x170]  }
0x33: {  	v1 =	vadd.s32 v0, v1;
	v4 =	vadd.s32 v0, v4;
	[tilespmem:$0xF0] =	vst v5;
	v5 =	vld [tilespmem:$0x1F0]  }
0x34: {  	[tilespmem:$0x10] =	vst v3;
	v3 =	vadd.s32 v0, v6;
	v6 =	vld [tilespmem:$0x1B0]  }
0x35: {  	v8 =	vld [tilespmem:$0x40];
	[tilespmem:$0x1D0] =	vst v1  }
0x36: {  	[tilespmem:$0x20] =	vst v3;
	v1 =	vld [tilespmem:$0x50]  }
0x37: {  	[tilespmem:$0x0] =	vst v4;
	v3 =	vadd.s32 v0, v7  }
0x38: {  	[tilespmem:$0x170] =	vst v3;
	v3 =	vadd.s32 v0, v5  }
0x39: {  	v4 =	vadd.s32 v0, v6;
	[tilespmem:$0x1F0] =	vst v3  }
0x3a: {  	v3 =	vadd.s32 v0, v8;
	[tilespmem:$0x1B0] =	vst v4  }
0x3b: {  	[tilespmem:$0x40] =	vst v3;
	v1 =	vadd.s32 v0, v1  }
0x3c: {  	[tilespmem:$0x50] =	vst v1;
	v1 =	vadd.s32 v0, v2  }
0x3d: {  	[tilespmem:$0x60] =	vst v1  }
0x3e: {  	[tilespmem:s13], [sflag:$0x1] =	stream.indirect.gather [hbm4b:s11+s13], $0x80, s2, s13, $0xb8;
	[tilespmem:$0x12240] =	vst v63  }
0x3f: {  	_ = 	snop  }
0x40: {  	[tilespmem:s18], [sflag:$0x2] =	stream.indirect.gather [hbm4b:s4+s17], $0x80, s5, s17, $0xb8;
	[tilespmem:$0x12240] =	vst v63  }
0x41: {  	_ = 	snop  }
0x42: {  	[tilespmem:s16], [sflag:$0x3] =	stream.indirect.gather [hbm4b:s4+s17], $0x80, s6, s17, $0xb8;
	[tilespmem:$0x12240] =	vst v63  }
0x43: {  	_ =	swait.ge [sflag:s20], $0x1000  }
0x44: {  	[sflag:s20] =	ssyncset.done $0x0  }
0x45: {  	[sflag:s20] =	ssyncadd.s32 $0xFFFFF000  }
0x46: {  	[hbm4b:s15+s2] =	stream.linear.scatter [tilespmem:s18], [sflag:$0x4], $0x1000, $0x38;
	[tilespmem:$0x12240] =	vst v63  }
0x47: {  	_ =	swait.ge [sflag:s3], $0x1000  }
0x48: {  	[sflag:s3] =	ssyncset.done $0x0  }
0x49: {  	[sflag:s3] =	ssyncadd.s32 $0xFFFFF000  }
0x4a: {  	_ =	swait.ge [sflag:s19], $0x1000  }
0x4b: {  	[sflag:s19] =	ssyncset.done $0x0  }
0x4c: {  	[sflag:s19] =	ssyncadd.s32 $0xFFFFF000  }
0x4d: {  	[hbm4b:s14+s2] =	stream.linear.scatter [tilespmem:s16], [sflag:$0x4], $0x1000, $0x38;
	[tilespmem:$0x12240] =	vst v63  }
0x4e: {  	_ =	swait.ge [sflag:s3], $0x1000  }
0x4f: {  	[sflag:s3] =	ssyncset.done $0x0  }
0x50: {  	[sflag:s3] =	ssyncadd.s32 $0xFFFFF000  }
0x51: {  	_ =	swait.ge [sflag:s10], $0x10000  }
0x52: {  	[sflag:s10] =	ssyncset.done $0x0  }
0x53: {  	[sflag:s10] =	ssyncadd.s32 $0xFFFF0000  }
0x54: {  	[hbm4b:s12+s2] =	stream.linear.scatter [tilespmem:s13], [sflag:$0x4], $0x10000, $0x38;
	[tilespmem:$0x12240] =	vst v63  }
0x55: {  	_ =	swait.ge [sflag:s3], $0x10000  }
0x56: {  	[sflag:s3] =	ssyncset.done $0x0  }
0x57: {  	[sflag:s3] =	ssyncadd.s32 $0xFFFF0000  }
0x58: {  	[tilespmem:s2], [sflag:$0x4] =	stream.linear.gather [hbm4b:s7+s2], $0x200, $0x38;
	[tilespmem:$0x12240] =	vst v63  }
0x59: {  	_ =	swait.ge [sflag:s3], $0x200  }
0x5a: {  	[sflag:s3] =	ssyncset.done $0x0  }
0x5b: {  	[sflag:s3] =	ssyncadd.s32 $0xFFFFFE00  }
0x5c: {  	[tilespmem:s5], [sflag:$0x4] =	stream.linear.gather [hbm4b:s8+s2], $0x20, $0x38;
	[tilespmem:$0x12240] =	vst v63  }
0x5d: {  	_ =	swait.ge [sflag:s3], $0x20  }
0x5e: {  	[sflag:s3] =	ssyncset.done $0x0  }
0x5f: {  	[sflag:s3] =	ssyncadd.s32 $0xFFFFFFE0  }
0x60: {  	[tilespmem:s6], [sflag:$0x4] =	stream.linear.gather [hbm4b:s9+s2], $0x20, $0x38;
	[tilespmem:$0x12240] =	vst v63  }
0x61: {  	_ =	swait.ge [sflag:s3], $0x20  }
0x62: {  	[sflag:s3] =	ssyncset.done $0x0  }
0x63: {  	[sflag:s3] =	ssyncadd.s32 $0xFFFFFFE0  }
0x64: {  	v1 =	vld [tilespmem:$0x1D0]  }
0x65: {  	v2 =	vld [tilespmem:$0x1E0]  }
0x66: {  	v3 =	vld [tilespmem:$0x1C0]  }
0x67: {  	v4 =	vld [tilespmem:$0x130]  }
0x68: {  	v5 =	vld [tilespmem:$0x1A0]  }
0x69: {  	v6 =	vld [tilespmem:$0x190]  }
0x6a: {  	v7 =	vld [tilespmem:$0x180];
	v2 =	vadd.s32 v0, v2  }
0x6b: {  	v8 =	vld [tilespmem:$0x160];
	v3 =	vadd.s32 v0, v3;
	[tilespmem:$0x1E0] =	vst v2  }
0x6c: {  	v2 =	vadd.s32 v0, v4;
	v4 =	vld [tilespmem:$0x150];
	[tilespmem:$0x1C0] =	vst v3  }
0x6d: {  	[tilespmem:$0x130] =	vst v2;
	v2 =	vld [tilespmem:$0x140];
	v3 =	vadd.s32 v0, v5  }
0x6e: {  	v5 =	vld [tilespmem:$0xB0];
	v6 =	vadd.s32 v0, v6;
	[tilespmem:$0x1A0] =	vst v3  }
0x6f: {  	v3 =	vld [tilespmem:$0x120];
	v7 =	vadd.s32 v0, v7;
	[tilespmem:$0x190] =	vst v6  }
0x70: {  	v6 =	vld [tilespmem:$0x110];
	v8 =	vadd.s32 v0, v8;
	[tilespmem:$0x180] =	vst v7  }
0x71: {  	v7 =	vld [tilespmem:$0x100];
	v4 =	vadd.s32 v0, v4;
	[tilespmem:$0x160] =	vst v8  }
0x72: {  	v8 =	vld [tilespmem:$0xE0];
	v2 =	vadd.s32 v0, v2;
	[tilespmem:$0x150] =	vst v4  }
0x73: {  	v4 =	vadd.s32 v0, v5;
	v5 =	vld [tilespmem:$0xD0];
	[tilespmem:$0x140] =	vst v2  }
0x74: {  	[tilespmem:$0xB0] =	vst v4;
	v2 =	vld [tilespmem:$0xC0];
	v3 =	vadd.s32 v0, v3  }
0x75: {  	v4 =	vld [tilespmem:$0x30];
	v6 =	vadd.s32 v0, v6;
	[tilespmem:$0x120] =	vst v3  }
0x76: {  	v9 =	vld [tilespmem:$0xA0];
	v3 =	vadd.s32 v0, v7;
	[tilespmem:$0x110] =	vst v6  }
0x77: {  	v6 =	vld [tilespmem:$0x90];
	v7 =	vadd.s32 v0, v8;
	[tilespmem:$0x100] =	vst v3  }
0x78: {  	v8 =	vld [tilespmem:$0x80];
	v3 =	vadd.s32 v0, v5;
	[tilespmem:$0xE0] =	vst v7  }
0x79: {  	v10 =	vld [tilespmem:$0x70];
	v5 =	vadd.s32 v0, v2;
	[tilespmem:$0xD0] =	vst v3  }
.Ltmp1:
0x7a: {  	v4 =	vadd.s32 v0, v4;
	v2 =	vld [tilespmem:$0x60];
	[tilespmem:$0xC0] =	vst v5;
	(pc) =	sbr.rel @p0 .LBB2_1-.Ltmp1, $4  }
0x7b: {  	v3 =	vld [tilespmem:$0x10];
	[tilespmem:$0x30] =	vst v4;
	v9 =	vadd.s32 v0, v9  }
0x7c: {  	v11 =	vadd.s32 v0, v6;
	v5 =	vld [tilespmem:$0xF0]  }
0x7d: {  	v4 =	vld [tilespmem:$0x0];
	v7 =	vadd.s32 v0, v8;
	[tilespmem:$0xA0] =	vst v9  }
0x7e: {  	v6 =	vld [tilespmem:$0x20];
	v8 =	vadd.s32 v0, v10;
	[tilespmem:$0x90] =	vst v11  }
.LBB2_2:
0x7f: {  	[tilespmem:$0x80] =	vst v7  }
0x80: {  	[tilespmem:$0x70] =	vst v8;
	v1 =	vadd.s32 v0, v1  }
0x81: {  	v53 =	vld [tilespmem:$0x170];
	v3 =	vadd.s32 v0, v3;
	[tilespmem:$0x1D0] =	vst v1  }
0x82: {  	v54 =	vld [tilespmem:$0x1F0];
	v5 =	vadd.s32 v0, v5;
	[tilespmem:$0x10] =	vst v3  }
0x83: {  	v55 =	vld [tilespmem:$0x1B0];
	[tilespmem:$0xF0] =	vst v5;
	v57 =	vadd.s32 v0, v4  }
0x84: {  	v56 =	vld [tilespmem:$0x40];
	v6 =	vadd.s32 v0, v6;
	[tilespmem:$0x0] =	vst v57  }
0x85: {  	v58 =	vld [tilespmem:$0x50];
	v63 =	vadd.s32 v0, v2;
	[tilespmem:$0x20] =	vst v6  }
0x86: {  	v59 =	vadd.s32 v0, v53;
	[tilespmem:$0x60] =	vst v63  }
0x87: {  	v60 =	vadd.s32 v0, v54;
	[tilespmem:$0x170] =	vst v59  }
0x88: {  	v3 =	vadd.s32 v0, v55;
	[tilespmem:$0x1F0] =	vst v60  }
0x89: {  	v61 =	vadd.s32 v0, v56;
	[tilespmem:$0x1B0] =	vst v3  }
0x8a: {  	v62 =	vadd.s32 v0, v58;
	[tilespmem:$0x40] =	vst v61  }
0x8b: {  	[tilespmem:$0x50] =	vst v62  }
0x8c: {  	[tilespmem:s13], [sflag:$0x1] =	stream.indirect.gather [hbm4b:s11+s13], $0x80, s2, s13, $0xb8;
	[tilespmem:$0x12240] =	vst v63  }
0x8d: {  	_ = 	snop  }
0x8e: {  	[tilespmem:s18], [sflag:$0x2] =	stream.indirect.gather [hbm4b:s4+s17], $0x80, s5, s17, $0xb8;
	[tilespmem:$0x12240] =	vst v63  }
0x8f: {  	_ = 	snop  }
0x90: {  	[tilespmem:s16], [sflag:$0x3] =	stream.indirect.gather [hbm4b:s4+s17], $0x80, s6, s17, $0xb8;
	[tilespmem:$0x12240] =	vst v63  }
0x91: {  	_ =	swait.ge [sflag:s20], $0x1000  }
0x92: {  	[sflag:s20] =	ssyncset.done $0x0  }
0x93: {  	[sflag:s20] =	ssyncadd.s32 $0xFFFFF000  }
0x94: {  	[hbm4b:s15+s2] =	stream.linear.scatter [tilespmem:s18], [sflag:$0x4], $0x1000, $0x38;
	[tilespmem:$0x12240] =	vst v63  }
0x95: {  	_ =	swait.ge [sflag:s3], $0x1000  }
0x96: {  	[sflag:s3] =	ssyncset.done $0x0  }
0x97: {  	[sflag:s3] =	ssyncadd.s32 $0xFFFFF000  }
0x98: {  	_ =	swait.ge [sflag:s19], $0x1000  }
0x99: {  	[sflag:s19] =	ssyncset.done $0x0  }
0x9a: {  	[sflag:s19] =	ssyncadd.s32 $0xFFFFF000  }
0x9b: {  	[hbm4b:s14+s2] =	stream.linear.scatter [tilespmem:s16], [sflag:$0x4], $0x1000, $0x38;
	[tilespmem:$0x12240] =	vst v63  }
0x9c: {  	_ =	swait.ge [sflag:s3], $0x1000  }
0x9d: {  	[sflag:s3] =	ssyncset.done $0x0  }
0x9e: {  	[sflag:s3] =	ssyncadd.s32 $0xFFFFF000  }
0x9f: {  	_ =	swait.ge [sflag:s10], $0x10000  }
0xa0: {  	[sflag:s10] =	ssyncset.done $0x0  }
0xa1: {  	[sflag:s10] =	ssyncadd.s32 $0xFFFF0000  }
0xa2: {  	[hbm4b:s12+s2] =	stream.linear.scatter [tilespmem:s13], [sflag:$0x4], $0x10000, $0x38;
	[tilespmem:$0x12240] =	vst v63  }
0xa3: {  	_ =	swait.ge [sflag:s3], $0x10000  }
0xa4: {  	[sflag:s3] =	ssyncset.done $0x0  }
0xa5: {  	[sflag:s3] =	ssyncadd.s32 $0xFFFF0000  }
0xa6: {  	_ =	sfence.sel $0x180000  }
0xa7: {  	[bflag:$0x0] =	sbarrier.arrive $0xFFFF  }
0xa8: {  	p0 =	sne.s32 s1, $0x0;
	_ =	strace $0x90000047  }
0xa9: {  	s0 =	sadd.s32 @!p0 $0x100000, s0;
	[bflag:$0x2] =	sbarrier.arrive $0xFFFF  }
0xaa: {  	[sflag:s0] =	ssyncadd.tile.s32 @!p0 $0x1;
	_ =	shalt  }
.Lfunc_end2:
_tile_overlayer_lowered:
.L_overlay_start_2:
0xab: {  	(tag) =	ssettag $0x2  }
0xac: {  	s0 =	rddreg [dreg:$0x0];
	s2 =	stileid.u32  }
0xad: {  	s1 =	rddreg [dreg:$0x1];
	p0 =	sne.s32 s2, $0x0  }
0xae: {  	s3 =	rddreg [dreg:$0x2];
	[bflag:$0x3] =	sbarrier.arrive $0xFFFF;
	s2 =	simm.s32 @!p0 $0x1C04  }
0xaf: {  	[timem:s3], [sflag:s2] =	dma.local @!p0 [hbm:s0], s1  }
0xb0: {  	s0 =	simm.s32 @!p0 $0x4  }
0xb1: {  	_ =	swait.ge @!p0 [sflag:s0], s1  }
0xb2: {  	s1 =	ssub.s32 @!p0 $0x0, s1;
	[sflag:s0] =	ssyncset.done @!p0 $0x0  }
0xb3: {  	[sflag:s0] =	ssyncadd.s32 @!p0 s1  }
0xb4: {  	[bflag:$0x3] =	sbarrier.arrive $0xFFFF  }
0xb5: {  	_ =	shalt  }

</sc_bundles>
